<compile_context>
chip_gen: v7x
topology: tpu7x:2x2x1
jax: 0.10.2.dev20260603
libtpu: 0.0.44.dev20260713+nightly
codegen_flags: <defaults>
</compile_context>

<pallas_src>
import jax
import jax.numpy as jnp
from jax import lax
from jax.experimental import pallas as pl
from jax.experimental.pallas import tpu as pltpu
from jax.experimental.pallas import tpu_sc as plsc

D = 64
SEQ = 50
NW = 32
SEQ_PER_CHUNK = 16
TOK_PER_CHUNK = SEQ_PER_CHUNK * SEQ


def _rsqrt(x):
    i = plsc.bitcast(x, jnp.int32)
    i = jnp.int32(0x5F3759DF) - lax.shift_right_logical(i, 1)
    y = plsc.bitcast(i, jnp.float32)
    for _ in range(2):
        y = y * (1.5 - 0.5 * x * y * y)
    return y


_DNUMS = lax.GatherDimensionNumbers(
    offset_dims=(), collapsed_slice_dims=(0,), start_index_map=(0,))


def _allsum(v):
    for step in (8, 4, 2, 1):
        perm = jnp.arange(16, dtype=jnp.int32) ^ step
        v = v + lax.gather(v, perm[:, None], _DNUMS, slice_sizes=(1,),
                           mode=lax.GatherScatterMode.PROMISE_IN_BOUNDS)
    return v


def _body(x_hbm, tok_hbm, pos_hbm, lnw_hbm, lnb_hbm, out_hbm,
          idx_v, rows_v, pos_v, lnw_v, lnb_v, sem):
    cid = lax.axis_index("c")
    sid = lax.axis_index("s")
    wid = sid * 2 + cid
    n_chunks = x_hbm.shape[0] // (NW * TOK_PER_CHUNK)

    pltpu.sync_copy(pos_hbm.at[pl.ds(0, 56)], pos_v)
    pltpu.sync_copy(lnw_hbm, lnw_v)
    pltpu.sync_copy(lnb_hbm, lnb_v)

    lw = [lnw_v[pl.ds(k * 16, 16)] for k in range(4)]
    lb = [lnb_v[pl.ds(k * 16, 16)] for k in range(4)]

    def chunk_body(c, _):
        tok_base = pl.multiple_of((wid * n_chunks + c) * TOK_PER_CHUNK, 8)
        pltpu.sync_copy(x_hbm.at[pl.ds(tok_base, TOK_PER_CHUNK)], idx_v)
        pltpu.async_copy(tok_hbm.at[idx_v], rows_v, sem).wait()

        def s_body(s, _):
            p = [pos_v[s, pl.ds(k * 16, 16)] for k in range(4)]

            def q_body(q, _):
                t = q * SEQ + s
                e = [rows_v[t, pl.ds(k * 16, 16)] + p[k] for k in range(4)]
                tot = _allsum((e[0] + e[1]) + (e[2] + e[3]))
                tot2 = _allsum((e[0] * e[0] + e[1] * e[1])
                               + (e[2] * e[2] + e[3] * e[3]))
                mean = tot * (1.0 / D)
                var = tot2 * (1.0 / D) - mean * mean
                rstd = _rsqrt(var + 1e-5)
                for k in range(4):
                    rows_v[t, pl.ds(k * 16, 16)] = (
                        (e[k] - mean) * rstd * lw[k] + lb[k])
                return 0

            lax.fori_loop(0, SEQ_PER_CHUNK, q_body, 0, unroll=4)
            return 0

        lax.fori_loop(0, SEQ, s_body, 0)
        pltpu.sync_copy(rows_v, out_hbm.at[pl.ds(tok_base, TOK_PER_CHUNK)])
        return 0

    lax.fori_loop(0, n_chunks, chunk_body, 0)


def kernel(x, tok_table, pos_table, ln_w, ln_b):
    batch, seq = x.shape
    n_tok = batch * seq
    run = pl.kernel(
        _body,
        out_type=jax.ShapeDtypeStruct((n_tok, D), jnp.float32),
        mesh=plsc.VectorSubcoreMesh(core_axis_name="c", subcore_axis_name="s"),
        compiler_params=pltpu.CompilerParams(
            needs_layout_passes=False, use_tc_tiling_on_sc=False),
        scratch_types=[
            pltpu.VMEM((TOK_PER_CHUNK,), jnp.int32),
            pltpu.VMEM((TOK_PER_CHUNK, D), jnp.float32),
            pltpu.VMEM((56, D), jnp.float32),
            pltpu.VMEM((D,), jnp.float32),
            pltpu.VMEM((D,), jnp.float32),
            pltpu.SemaphoreType.DMA,
        ],
    )
    out = run(x.reshape(n_tok), tok_table, pos_table, ln_w, ln_b)
    return out.reshape(batch, seq, D)

# --- scband reference (transcript-rebuilt; emitter-appended) ---
"""Pipeline reference for scband-embedding-9208409882874 (READ-ONLY COPY).

The authoritative reference and input builder live on the scoring server;
editing this copy changes nothing except your own understanding.
"""

import jax, jax.numpy as jnp
import numpy as np

VOCAB = 1000000
D_MODEL = 64
MAXLEN = 200
BATCH = 4096
SEQ = 50

def setup_inputs(seed: int = 0) -> dict:
    key = jax.random.key(seed)
    k1, k2, k3 = jax.random.split(key, 3)
    x = jax.random.randint(k1, (BATCH, SEQ), 0, VOCAB, dtype=jnp.int32)
    tok_table = jax.random.normal(k2, (VOCAB, D_MODEL), dtype=jnp.float32)
    pos_table = jax.random.normal(k3, (MAXLEN, D_MODEL), dtype=jnp.float32)
    ln_w = jnp.ones((D_MODEL,), dtype=jnp.float32)
    ln_b = jnp.zeros((D_MODEL,), dtype=jnp.float32)
    return {"x": x, "tok_table": tok_table, "pos_table": pos_table, "ln_w": ln_w, "ln_b": ln_b}

def reference(x, tok_table, pos_table, ln_w, ln_b):
    seq_len = x.shape[1]
    pos = jnp.arange(seq_len, dtype=jnp.int32)
    tok_emb = jnp.take(tok_table, x, axis=0)            # gather: [B, S, D]
    pos_emb = jnp.take(pos_table, pos, axis=0)[None]    # [1, S, D]
    emb = tok_emb + pos_emb
    mean = jnp.mean(emb, axis=-1, keepdims=True)
    var = jnp.mean((emb - mean) ** 2, axis=-1, keepdims=True)
    normed = (emb - mean) / jnp.sqrt(var + 1e-5)
    return normed * ln_w + ln_b

if __name__ == "__main__":
    import jax
    _d = setup_inputs()
    print(jax.jit(kernel)(*tuple(_d.values())))

</pallas_src>

<mosaic_0001>
#map = affine_map<(d0, d1) -> (0)>
#map1 = affine_map<(d0, d1) -> (0, 0)>
module attributes {stable_mosaic.version = 14 : i64} {
  func.func @_body(%arg0: i32, %arg1: i32, %arg2: memref<204800xi32, #tpu.memory_space<hbm>>, %arg3: memref<1000000x64xf32, #tpu.memory_space<hbm>>, %arg4: memref<200x64xf32, #tpu.memory_space<hbm>>, %arg5: memref<64xf32, #tpu.memory_space<hbm>>, %arg6: memref<64xf32, #tpu.memory_space<hbm>>, %arg7: memref<204800x64xf32, #tpu.memory_space<hbm>>, %arg8: memref<800xi32, #tpu.memory_space<vmem>>, %arg9: memref<800x64xf32, #tpu.memory_space<vmem>>, %arg10: memref<56x64xf32, #tpu.memory_space<vmem>>, %arg11: memref<64xf32, #tpu.memory_space<vmem>>, %arg12: memref<64xf32, #tpu.memory_space<vmem>>, %arg13: memref<!tpu.dma_semaphore, #tpu.memory_space<semaphore_mem>>) attributes {dimension_semantics = [#tpu.dimension_semantics<core_parallel>, #tpu.dimension_semantics<subcore_parallel>], iteration_bounds = array<i64: 2, 16>, scalar_prefetch = 0 : i64, scratch_operands = 6 : i64, tpu.core_type = #tpu.core_type<sc_vector_subcore>, window_params = [{transform_indices = #map}, {transform_indices = #map1}, {transform_indices = #map1}, {transform_indices = #map}, {transform_indices = #map}, {transform_indices = #map1}]} {
    %mul3A = arith.constant 2 : i32
    %mul3A_0 = arith.muli %arg1, %mul3A : i32
    %add3A = arith.addi %mul3A_0, %arg0 : i32
    "tpu.region"() ({
      %run_scoped3A = tpu.sem_alloc : memref<!tpu.dma_semaphore, #tpu.memory_space<semaphore_mem>>
      %dma_start3A = arith.constant 0 : i32
      %dma_start3A_22 = arith.constant 0 : i32
      %dma_start3A_23 = tpu.memref_slice %arg4[%dma_start3A, %dma_start3A_22] : memref<200x64xf32, #tpu.memory_space<hbm>> -> memref<56x64xf32, #tpu.memory_space<hbm>>
      %dma_start3A_24 = arith.constant 0 : i32
      %dma_start3A_25 = arith.constant 0 : i32
      %dma_start3A_26 = tpu.memref_slice %arg4[%dma_start3A_24, %dma_start3A_25] : memref<200x64xf32, #tpu.memory_space<hbm>> -> memref<56x64xf32, #tpu.memory_space<hbm>>
      tpu.enqueue_dma source(%dma_start3A_26 : memref<56x64xf32, #tpu.memory_space<hbm>>) target(%arg10 : memref<56x64xf32, #tpu.memory_space<vmem>>) target_semaphore(%run_scoped3A : memref<!tpu.dma_semaphore, #tpu.memory_space<semaphore_mem>>)
      %dma_wait3A = arith.constant 0 : i32
      %dma_wait3A_27 = arith.constant 0 : i32
      %dma_wait3A_28 = tpu.memref_slice %arg4[%dma_wait3A, %dma_wait3A_27] : memref<200x64xf32, #tpu.memory_space<hbm>> -> memref<56x64xf32, #tpu.memory_space<hbm>>
      %dma_wait3A_29 = arith.constant 0 : i32
      %dma_wait3A_30 = arith.constant 0 : i32
      %dma_wait3A_31 = tpu.memref_slice %arg4[%dma_wait3A_29, %dma_wait3A_30] : memref<200x64xf32, #tpu.memory_space<hbm>> -> memref<56x64xf32, #tpu.memory_space<hbm>>
      tpu.wait_dma2 semaphore(%run_scoped3A : memref<!tpu.dma_semaphore, #tpu.memory_space<semaphore_mem>>) src(%dma_wait3A_31 : memref<56x64xf32, #tpu.memory_space<hbm>>) dst(%arg10 : memref<56x64xf32, #tpu.memory_space<vmem>>)
      tpu.yield
    }) : () -> ()
    "tpu.region"() ({
      %run_scoped3A = tpu.sem_alloc : memref<!tpu.dma_semaphore, #tpu.memory_space<semaphore_mem>>
      tpu.enqueue_dma source(%arg5 : memref<64xf32, #tpu.memory_space<hbm>>) target(%arg11 : memref<64xf32, #tpu.memory_space<vmem>>) target_semaphore(%run_scoped3A : memref<!tpu.dma_semaphore, #tpu.memory_space<semaphore_mem>>)
      tpu.wait_dma2 semaphore(%run_scoped3A : memref<!tpu.dma_semaphore, #tpu.memory_space<semaphore_mem>>) src(%arg5 : memref<64xf32, #tpu.memory_space<hbm>>) dst(%arg11 : memref<64xf32, #tpu.memory_space<vmem>>)
      tpu.yield
    }) : () -> ()
    "tpu.region"() ({
      %run_scoped3A = tpu.sem_alloc : memref<!tpu.dma_semaphore, #tpu.memory_space<semaphore_mem>>
      tpu.enqueue_dma source(%arg6 : memref<64xf32, #tpu.memory_space<hbm>>) target(%arg12 : memref<64xf32, #tpu.memory_space<vmem>>) target_semaphore(%run_scoped3A : memref<!tpu.dma_semaphore, #tpu.memory_space<semaphore_mem>>)
      tpu.wait_dma2 semaphore(%run_scoped3A : memref<!tpu.dma_semaphore, #tpu.memory_space<semaphore_mem>>) src(%arg6 : memref<64xf32, #tpu.memory_space<hbm>>) dst(%arg12 : memref<64xf32, #tpu.memory_space<vmem>>)
      tpu.yield
    }) : () -> ()
    %get3A = arith.constant 0 : index
    %get3A_1 = tpu.vector_load %arg11[%get3A] {strides = array<i32>} : memref<64xf32, #tpu.memory_space<vmem>>, vector<16xf32>,
    %get3A_2 = arith.constant 16 : index
    %get3A_3 = tpu.vector_load %arg11[%get3A_2] {strides = array<i32>} : memref<64xf32, #tpu.memory_space<vmem>>, vector<16xf32>,
    %get3A_4 = arith.constant 32 : index
    %get3A_5 = tpu.vector_load %arg11[%get3A_4] {strides = array<i32>} : memref<64xf32, #tpu.memory_space<vmem>>, vector<16xf32>,
    %get3A_6 = arith.constant 48 : index
    %get3A_7 = tpu.vector_load %arg11[%get3A_6] {strides = array<i32>} : memref<64xf32, #tpu.memory_space<vmem>>, vector<16xf32>,
    %get3A_8 = arith.constant 0 : index
    %get3A_9 = tpu.vector_load %arg12[%get3A_8] {strides = array<i32>} : memref<64xf32, #tpu.memory_space<vmem>>, vector<16xf32>,
    %get3A_10 = arith.constant 16 : index
    %get3A_11 = tpu.vector_load %arg12[%get3A_10] {strides = array<i32>} : memref<64xf32, #tpu.memory_space<vmem>>, vector<16xf32>,
    %get3A_12 = arith.constant 32 : index
    %get3A_13 = tpu.vector_load %arg12[%get3A_12] {strides = array<i32>} : memref<64xf32, #tpu.memory_space<vmem>>, vector<16xf32>,
    %get3A_14 = arith.constant 48 : index
    %get3A_15 = tpu.vector_load %arg12[%get3A_14] {strides = array<i32>} : memref<64xf32, #tpu.memory_space<vmem>>, vector<16xf32>,
    %scan3A = arith.constant 0 : i32
    %scan3A_16 = arith.constant 0 : i32
    %scan3A_17 = arith.constant 8 : i32
    %scan3A_18 = arith.addi %scan3A_16, %scan3A_17 : i32
    %scan3A_19 = arith.constant 1 : i32
    %scan3A_20 = scf.for %scan3A_22 = %scan3A_16 to %scan3A_18 step %scan3A_19 iter_args(%scan3A_23 = %scan3A) -> (i32)  : i32 {
      %mul3A_24 = arith.constant 8 : i32
      %mul3A_25 = arith.muli %add3A, %mul3A_24 : i32
      %add3A_26 = arith.addi %mul3A_25, %scan3A_22 : i32
      %mul3A_27 = arith.constant 800 : i32
      %mul3A_28 = arith.muli %add3A_26, %mul3A_27 : i32
      %multiple_of3A = tpu.assume_multiple %mul3A_28, 8 : i32
      "tpu.region"() ({
        %run_scoped3A = tpu.sem_alloc : memref<!tpu.dma_semaphore, #tpu.memory_space<semaphore_mem>>
        %dma_start3A_41 = tpu.memref_slice %arg2[%multiple_of3A] : memref<204800xi32, #tpu.memory_space<hbm>> -> memref<800xi32, #tpu.memory_space<hbm>>
        %dma_start3A_42 = tpu.memref_slice %arg2[%multiple_of3A] : memref<204800xi32, #tpu.memory_space<hbm>> -> memref<800xi32, #tpu.memory_space<hbm>>
        tpu.enqueue_dma source(%dma_start3A_42 : memref<800xi32, #tpu.memory_space<hbm>>) target(%arg8 : memref<800xi32, #tpu.memory_space<vmem>>) target_semaphore(%run_scoped3A : memref<!tpu.dma_semaphore, #tpu.memory_space<semaphore_mem>>)
        %dma_wait3A_43 = tpu.memref_slice %arg2[%multiple_of3A] : memref<204800xi32, #tpu.memory_space<hbm>> -> memref<800xi32, #tpu.memory_space<hbm>>
        %dma_wait3A_44 = tpu.memref_slice %arg2[%multiple_of3A] : memref<204800xi32, #tpu.memory_space<hbm>> -> memref<800xi32, #tpu.memory_space<hbm>>
        tpu.wait_dma2 semaphore(%run_scoped3A : memref<!tpu.dma_semaphore, #tpu.memory_space<semaphore_mem>>) src(%dma_wait3A_44 : memref<800xi32, #tpu.memory_space<hbm>>) dst(%arg8 : memref<800xi32, #tpu.memory_space<vmem>>)
        tpu.yield
      }) : () -> ()
      %dma_start3A = arith.constant 0 : i32
      %dma_start3A_29 = arith.constant 0 : i32
      %dma_start3A_30 = tpu.memref_slice %arg3[%dma_start3A, %dma_start3A_29] : memref<1000000x64xf32, #tpu.memory_space<hbm>> -> memref<1000000x64xf32, #tpu.memory_space<hbm>>
      tpu.enqueue_indirect_dma source(%dma_start3A_30 : memref<1000000x64xf32, #tpu.memory_space<hbm>>) target(%arg9 : memref<800x64xf32, #tpu.memory_space<vmem>>) offsets(%arg8 : memref<800xi32, #tpu.memory_space<vmem>>) semaphore(%arg13 : memref<!tpu.dma_semaphore, #tpu.memory_space<semaphore_mem>>)
      %dma_wait3A = arith.constant 0 : i32
      %dma_wait3A_31 = arith.constant 0 : i32
      %dma_wait3A_32 = tpu.memref_slice %arg3[%dma_wait3A, %dma_wait3A_31] : memref<1000000x64xf32, #tpu.memory_space<hbm>> -> memref<1000000x64xf32, #tpu.memory_space<hbm>>
      tpu.wait_indirect_dma semaphore(%arg13 : memref<!tpu.dma_semaphore, #tpu.memory_space<semaphore_mem>>) src(%dma_wait3A_32 : memref<1000000x64xf32, #tpu.memory_space<hbm>>) dst(%arg9 : memref<800x64xf32, #tpu.memory_space<vmem>>)
      %scan3A_33 = arith.constant 0 : i32
      %scan3A_34 = arith.constant 0 : i32
      %scan3A_35 = arith.constant 50 : i32
      %scan3A_36 = arith.addi %scan3A_34, %scan3A_35 : i32
      %scan3A_37 = arith.constant 1 : i32
      %scan3A_38 = scf.for %scan3A_41 = %scan3A_34 to %scan3A_36 step %scan3A_37 iter_args(%scan3A_42 = %scan3A_33) -> (i32)  : i32 {
        %get3A_43 = arith.index_cast %scan3A_41 : i32 to index
        %get3A_44 = arith.constant 0 : index
        %get3A_45 = tpu.vector_load %arg10[%get3A_43, %get3A_44] {strides = array<i32>} : memref<56x64xf32, #tpu.memory_space<vmem>>, vector<16xf32>,
        %get3A_46 = arith.index_cast %scan3A_41 : i32 to index
        %get3A_47 = arith.constant 16 : index
        %get3A_48 = tpu.vector_load %arg10[%get3A_46, %get3A_47] {strides = array<i32>} : memref<56x64xf32, #tpu.memory_space<vmem>>, vector<16xf32>,
        %get3A_49 = arith.index_cast %scan3A_41 : i32 to index
        %get3A_50 = arith.constant 32 : index
        %get3A_51 = tpu.vector_load %arg10[%get3A_49, %get3A_50] {strides = array<i32>} : memref<56x64xf32, #tpu.memory_space<vmem>>, vector<16xf32>,
        %get3A_52 = arith.index_cast %scan3A_41 : i32 to index
        %get3A_53 = arith.constant 48 : index
        %get3A_54 = tpu.vector_load %arg10[%get3A_52, %get3A_53] {strides = array<i32>} : memref<56x64xf32, #tpu.memory_space<vmem>>, vector<16xf32>,
        %scan3A_55 = arith.constant 0 : i32
        %scan3A_56 = arith.constant 0 : i32
        %scan3A_57 = arith.constant 16 : i32
        %scan3A_58 = arith.addi %scan3A_56, %scan3A_57 : i32
        %scan3A_59 = arith.constant 4 : i32
        %scan3A_60 = scf.for %scan3A_63 = %scan3A_56 to %scan3A_58 step %scan3A_59 iter_args(%scan3A_64 = %scan3A_55) -> (i32)  : i32 {
          %mul3A_65 = arith.constant 50 : i32
          %mul3A_66 = arith.muli %scan3A_63, %mul3A_65 : i32
          %add3A_67 = arith.addi %mul3A_66, %scan3A_41 : i32
          %get3A_68 = arith.index_cast %add3A_67 : i32 to index
          %get3A_69 = arith.constant 0 : index
          %get3A_70 = tpu.vector_load %arg9[%get3A_68, %get3A_69] {strides = array<i32>} : memref<800x64xf32, #tpu.memory_space<vmem>>, vector<16xf32>,
          %add3A_71 = arith.addf %get3A_70, %get3A_45 : vector<16xf32>
          %get3A_72 = arith.index_cast %add3A_67 : i32 to index
          %get3A_73 = arith.constant 16 : index
          %get3A_74 = tpu.vector_load %arg9[%get3A_72, %get3A_73] {strides = array<i32>} : memref<800x64xf32, #tpu.memory_space<vmem>>, vector<16xf32>,
          %add3A_75 = arith.addf %get3A_74, %get3A_48 : vector<16xf32>
          %get3A_76 = arith.index_cast %add3A_67 : i32 to index
          %get3A_77 = arith.constant 32 : index
          %get3A_78 = tpu.vector_load %arg9[%get3A_76, %get3A_77] {strides = array<i32>} : memref<800x64xf32, #tpu.memory_space<vmem>>, vector<16xf32>,
          %add3A_79 = arith.addf %get3A_78, %get3A_51 : vector<16xf32>
          %get3A_80 = arith.index_cast %add3A_67 : i32 to index
          %get3A_81 = arith.constant 48 : index
          %get3A_82 = tpu.vector_load %arg9[%get3A_80, %get3A_81] {strides = array<i32>} : memref<800x64xf32, #tpu.memory_space<vmem>>, vector<16xf32>,
          %add3A_83 = arith.addf %get3A_82, %get3A_54 : vector<16xf32>
          %add3A_84 = arith.addf %add3A_71, %add3A_75 : vector<16xf32>
          %add3A_85 = arith.addf %add3A_79, %add3A_83 : vector<16xf32>
          %add3A_86 = arith.addf %add3A_84, %add3A_85 : vector<16xf32>
          %iota3A = tpu.iota {dimensions = array<i32: 0>} : vector<16xi32>
          %xor3A = arith.constant 8 : i32
          %xor3A_87 = vector.broadcast %xor3A : i32 to vector<16xi32>
          %xor3A_88 = arith.xori %iota3A, %xor3A_87 : vector<16xi32>
          %broadcast_in_dim3A = vector.shape_cast %xor3A_88 : vector<16xi32> to vector<16x1xi32>
          %gather3A = vector.shape_cast %broadcast_in_dim3A : vector<16x1xi32> to vector<16xi32>
          %gather3A_89 = tpu.dynamic_gather %add3A_86[%gather3A] in [0] : vector<16xf32>, vector<16xi32> -> vector<16xf32>
          %add3A_90 = arith.addf %add3A_86, %gather3A_89 : vector<16xf32>
          %iota3A_91 = tpu.iota {dimensions = array<i32: 0>} : vector<16xi32>
          %xor3A_92 = arith.constant 4 : i32
          %xor3A_93 = vector.broadcast %xor3A_92 : i32 to vector<16xi32>
          %xor3A_94 = arith.xori %iota3A_91, %xor3A_93 : vector<16xi32>
          %broadcast_in_dim3A_95 = vector.shape_cast %xor3A_94 : vector<16xi32> to vector<16x1xi32>
          %gather3A_96 = vector.shape_cast %broadcast_in_dim3A_95 : vector<16x1xi32> to vector<16xi32>
          %gather3A_97 = tpu.dynamic_gather %add3A_90[%gather3A_96] in [0] : vector<16xf32>, vector<16xi32> -> vector<16xf32>
          %add3A_98 = arith.addf %add3A_90, %gather3A_97 : vector<16xf32>
          %iota3A_99 = tpu.iota {dimensions = array<i32: 0>} : vector<16xi32>
          %xor3A_100 = arith.constant 2 : i32
          %xor3A_101 = vector.broadcast %xor3A_100 : i32 to vector<16xi32>
          %xor3A_102 = arith.xori %iota3A_99, %xor3A_101 : vector<16xi32>
          %broadcast_in_dim3A_103 = vector.shape_cast %xor3A_102 : vector<16xi32> to vector<16x1xi32>
          %gather3A_104 = vector.shape_cast %broadcast_in_dim3A_103 : vector<16x1xi32> to vector<16xi32>
          %gather3A_105 = tpu.dynamic_gather %add3A_98[%gather3A_104] in [0] : vector<16xf32>, vector<16xi32> -> vector<16xf32>
          %add3A_106 = arith.addf %add3A_98, %gather3A_105 : vector<16xf32>
          %iota3A_107 = tpu.iota {dimensions = array<i32: 0>} : vector<16xi32>
          %xor3A_108 = arith.constant 1 : i32
          %xor3A_109 = vector.broadcast %xor3A_108 : i32 to vector<16xi32>
          %xor3A_110 = arith.xori %iota3A_107, %xor3A_109 : vector<16xi32>
          %broadcast_in_dim3A_111 = vector.shape_cast %xor3A_110 : vector<16xi32> to vector<16x1xi32>
          %gather3A_112 = vector.shape_cast %broadcast_in_dim3A_111 : vector<16x1xi32> to vector<16xi32>
          %gather3A_113 = tpu.dynamic_gather %add3A_106[%gather3A_112] in [0] : vector<16xf32>, vector<16xi32> -> vector<16xf32>
          %add3A_114 = arith.addf %add3A_106, %gather3A_113 : vector<16xf32>
          %mul3A_115 = arith.mulf %add3A_71, %add3A_71 : vector<16xf32>
          %mul3A_116 = arith.mulf %add3A_75, %add3A_75 : vector<16xf32>
          %add3A_117 = arith.addf %mul3A_115, %mul3A_116 : vector<16xf32>
          %mul3A_118 = arith.mulf %add3A_79, %add3A_79 : vector<16xf32>
          %mul3A_119 = arith.mulf %add3A_83, %add3A_83 : vector<16xf32>
          %add3A_120 = arith.addf %mul3A_118, %mul3A_119 : vector<16xf32>
          %add3A_121 = arith.addf %add3A_117, %add3A_120 : vector<16xf32>
          %iota3A_122 = tpu.iota {dimensions = array<i32: 0>} : vector<16xi32>
          %xor3A_123 = arith.constant 8 : i32
          %xor3A_124 = vector.broadcast %xor3A_123 : i32 to vector<16xi32>
          %xor3A_125 = arith.xori %iota3A_122, %xor3A_124 : vector<16xi32>
          %broadcast_in_dim3A_126 = vector.shape_cast %xor3A_125 : vector<16xi32> to vector<16x1xi32>
          %gather3A_127 = vector.shape_cast %broadcast_in_dim3A_126 : vector<16x1xi32> to vector<16xi32>
          %gather3A_128 = tpu.dynamic_gather %add3A_121[%gather3A_127] in [0] : vector<16xf32>, vector<16xi32> -> vector<16xf32>
          %add3A_129 = arith.addf %add3A_121, %gather3A_128 : vector<16xf32>
          %iota3A_130 = tpu.iota {dimensions = array<i32: 0>} : vector<16xi32>
          %xor3A_131 = arith.constant 4 : i32
          %xor3A_132 = vector.broadcast %xor3A_131 : i32 to vector<16xi32>
          %xor3A_133 = arith.xori %iota3A_130, %xor3A_132 : vector<16xi32>
          %broadcast_in_dim3A_134 = vector.shape_cast %xor3A_133 : vector<16xi32> to vector<16x1xi32>
          %gather3A_135 = vector.shape_cast %broadcast_in_dim3A_134 : vector<16x1xi32> to vector<16xi32>
          %gather3A_136 = tpu.dynamic_gather %add3A_129[%gather3A_135] in [0] : vector<16xf32>, vector<16xi32> -> vector<16xf32>
          %add3A_137 = arith.addf %add3A_129, %gather3A_136 : vector<16xf32>
          %iota3A_138 = tpu.iota {dimensions = array<i32: 0>} : vector<16xi32>
          %xor3A_139 = arith.constant 2 : i32
          %xor3A_140 = vector.broadcast %xor3A_139 : i32 to vector<16xi32>
          %xor3A_141 = arith.xori %iota3A_138, %xor3A_140 : vector<16xi32>
          %broadcast_in_dim3A_142 = vector.shape_cast %xor3A_141 : vector<16xi32> to vector<16x1xi32>
          %gather3A_143 = vector.shape_cast %broadcast_in_dim3A_142 : vector<16x1xi32> to vector<16xi32>
          %gather3A_144 = tpu.dynamic_gather %add3A_137[%gather3A_143] in [0] : vector<16xf32>, vector<16xi32> -> vector<16xf32>
          %add3A_145 = arith.addf %add3A_137, %gather3A_144 : vector<16xf32>
          %iota3A_146 = tpu.iota {dimensions = array<i32: 0>} : vector<16xi32>
          %xor3A_147 = arith.constant 1 : i32
          %xor3A_148 = vector.broadcast %xor3A_147 : i32 to vector<16xi32>
          %xor3A_149 = arith.xori %iota3A_146, %xor3A_148 : vector<16xi32>
          %broadcast_in_dim3A_150 = vector.shape_cast %xor3A_149 : vector<16xi32> to vector<16x1xi32>
          %gather3A_151 = vector.shape_cast %broadcast_in_dim3A_150 : vector<16x1xi32> to vector<16xi32>
          %gather3A_152 = tpu.dynamic_gather %add3A_145[%gather3A_151] in [0] : vector<16xf32>, vector<16xi32> -> vector<16xf32>
          %add3A_153 = arith.addf %add3A_145, %gather3A_152 : vector<16xf32>
          %mul3A_154 = arith.constant 1.562500e-02 : f32
          %mul3A_155 = vector.broadcast %mul3A_154 : f32 to vector<16xf32>
          %mul3A_156 = arith.mulf %add3A_114, %mul3A_155 : vector<16xf32>
          %mul3A_157 = arith.constant 1.562500e-02 : f32
          %mul3A_158 = vector.broadcast %mul3A_157 : f32 to vector<16xf32>
          %mul3A_159 = arith.mulf %add3A_153, %mul3A_158 : vector<16xf32>
          %mul3A_160 = arith.mulf %mul3A_156, %mul3A_156 : vector<16xf32>
          %sub3A = arith.subf %mul3A_159, %mul3A_160 : vector<16xf32>
          %add3A_161 = arith.constant 9.99999974E-6 : f32
          %add3A_162 = vector.broadcast %add3A_161 : f32 to vector<16xf32>
          %add3A_163 = arith.addf %sub3A, %add3A_162 : vector<16xf32>
          %bitcast3A = vector.bitcast %add3A_163 : vector<16xf32> to vector<16xi32>
          %shift_right_logical3A = arith.constant 1 : i32
          %shift_right_logical3A_164 = vector.broadcast %shift_right_logical3A : i32 to vector<16xi32>
          %shift_right_logical3A_165 = arith.shrui %bitcast3A, %shift_right_logical3A_164 : vector<16xi32>
          %sub3A_166 = arith.constant 1597463007 : i32
          %sub3A_167 = vector.broadcast %sub3A_166 : i32 to vector<16xi32>
          %sub3A_168 = arith.subi %sub3A_167, %shift_right_logical3A_165 : vector<16xi32>
          %bitcast3A_169 = vector.bitcast %sub3A_168 : vector<16xi32> to vector<16xf32>
          %mul3A_170 = arith.constant 5.000000e-01 : f32
          %mul3A_171 = vector.broadcast %mul3A_170 : f32 to vector<16xf32>
          %mul3A_172 = arith.mulf %mul3A_171, %add3A_163 : vector<16xf32>
          %mul3A_173 = arith.mulf %mul3A_172, %bitcast3A_169 : vector<16xf32>
          %mul3A_174 = arith.mulf %mul3A_173, %bitcast3A_169 : vector<16xf32>
          %sub3A_175 = arith.constant 1.500000e+00 : f32
          %sub3A_176 = vector.broadcast %sub3A_175 : f32 to vector<16xf32>
          %sub3A_177 = arith.subf %sub3A_176, %mul3A_174 : vector<16xf32>
          %mul3A_178 = arith.mulf %bitcast3A_169, %sub3A_177 : vector<16xf32>
          %mul3A_179 = arith.constant 5.000000e-01 : f32
          %mul3A_180 = vector.broadcast %mul3A_179 : f32 to vector<16xf32>
          %mul3A_181 = arith.mulf %mul3A_180, %add3A_163 : vector<16xf32>
          %mul3A_182 = arith.mulf %mul3A_181, %mul3A_178 : vector<16xf32>
          %mul3A_183 = arith.mulf %mul3A_182, %mul3A_178 : vector<16xf32>
          %sub3A_184 = arith.constant 1.500000e+00 : f32
          %sub3A_185 = vector.broadcast %sub3A_184 : f32 to vector<16xf32>
          %sub3A_186 = arith.subf %sub3A_185, %mul3A_183 : vector<16xf32>
          %mul3A_187 = arith.mulf %mul3A_178, %sub3A_186 : vector<16xf32>
          %sub3A_188 = arith.subf %add3A_71, %mul3A_156 : vector<16xf32>
          %mul3A_189 = arith.mulf %sub3A_188, %mul3A_187 : vector<16xf32>
          %mul3A_190 = arith.mulf %mul3A_189, %get3A_1 : vector<16xf32>
          %add3A_191 = arith.addf %mul3A_190, %get3A_9 : vector<16xf32>
          %swap3A = arith.index_cast %add3A_67 : i32 to index
          %swap3A_192 = arith.constant 0 : index
          %swap3A_193 = tpu.vector_load %arg9[%swap3A, %swap3A_192] {strides = array<i32>} : memref<800x64xf32, #tpu.memory_space<vmem>>, vector<16xf32>,
          tpu.vector_store %arg9[%swap3A, %swap3A_192], %add3A_191 {strides = array<i32>} : memref<800x64xf32, #tpu.memory_space<vmem>>, vector<16xf32>,
          %sub3A_194 = arith.subf %add3A_75, %mul3A_156 : vector<16xf32>
          %mul3A_195 = arith.mulf %sub3A_194, %mul3A_187 : vector<16xf32>
          %mul3A_196 = arith.mulf %mul3A_195, %get3A_3 : vector<16xf32>
          %add3A_197 = arith.addf %mul3A_196, %get3A_11 : vector<16xf32>
          %swap3A_198 = arith.index_cast %add3A_67 : i32 to index
          %swap3A_199 = arith.constant 16 : index
          %swap3A_200 = tpu.vector_load %arg9[%swap3A_198, %swap3A_199] {strides = array<i32>} : memref<800x64xf32, #tpu.memory_space<vmem>>, vector<16xf32>,
          tpu.vector_store %arg9[%swap3A_198, %swap3A_199], %add3A_197 {strides = array<i32>} : memref<800x64xf32, #tpu.memory_space<vmem>>, vector<16xf32>,
          %sub3A_201 = arith.subf %add3A_79, %mul3A_156 : vector<16xf32>
          %mul3A_202 = arith.mulf %sub3A_201, %mul3A_187 : vector<16xf32>
          %mul3A_203 = arith.mulf %mul3A_202, %get3A_5 : vector<16xf32>
          %add3A_204 = arith.addf %mul3A_203, %get3A_13 : vector<16xf32>
          %swap3A_205 = arith.index_cast %add3A_67 : i32 to index
          %swap3A_206 = arith.constant 32 : index
          %swap3A_207 = tpu.vector_load %arg9[%swap3A_205, %swap3A_206] {strides = array<i32>} : memref<800x64xf32, #tpu.memory_space<vmem>>, vector<16xf32>,
          tpu.vector_store %arg9[%swap3A_205, %swap3A_206], %add3A_204 {strides = array<i32>} : memref<800x64xf32, #tpu.memory_space<vmem>>, vector<16xf32>,
          %sub3A_208 = arith.subf %add3A_83, %mul3A_156 : vector<16xf32>
          %mul3A_209 = arith.mulf %sub3A_208, %mul3A_187 : vector<16xf32>
          %mul3A_210 = arith.mulf %mul3A_209, %get3A_7 : vector<16xf32>
          %add3A_211 = arith.addf %mul3A_210, %get3A_15 : vector<16xf32>
          %swap3A_212 = arith.index_cast %add3A_67 : i32 to index
          %swap3A_213 = arith.constant 48 : index
          %swap3A_214 = tpu.vector_load %arg9[%swap3A_212, %swap3A_213] {strides = array<i32>} : memref<800x64xf32, #tpu.memory_space<vmem>>, vector<16xf32>,
          tpu.vector_store %arg9[%swap3A_212, %swap3A_213], %add3A_211 {strides = array<i32>} : memref<800x64xf32, #tpu.memory_space<vmem>>, vector<16xf32>,
          %scan3A_215 = arith.constant 0 : i32
          %scan3A_216 = arith.constant 1 : i32
          %scan3A_217 = arith.addi %scan3A_63, %scan3A_216 : i32
          %mul3A_218 = arith.constant 50 : i32
          %mul3A_219 = arith.muli %scan3A_217, %mul3A_218 : i32
          %add3A_220 = arith.addi %mul3A_219, %scan3A_41 : i32
          %get3A_221 = arith.index_cast %add3A_220 : i32 to index
          %get3A_222 = arith.constant 0 : index
          %get3A_223 = tpu.vector_load %arg9[%get3A_221, %get3A_222] {strides = array<i32>} : memref<800x64xf32, #tpu.memory_space<vmem>>, vector<16xf32>,
          %add3A_224 = arith.addf %get3A_223, %get3A_45 : vector<16xf32>
          %get3A_225 = arith.index_cast %add3A_220 : i32 to index
          %get3A_226 = arith.constant 16 : index
          %get3A_227 = tpu.vector_load %arg9[%get3A_225, %get3A_226] {strides = array<i32>} : memref<800x64xf32, #tpu.memory_space<vmem>>, vector<16xf32>,
          %add3A_228 = arith.addf %get3A_227, %get3A_48 : vector<16xf32>
          %get3A_229 = arith.index_cast %add3A_220 : i32 to index
          %get3A_230 = arith.constant 32 : index
          %get3A_231 = tpu.vector_load %arg9[%get3A_229, %get3A_230] {strides = array<i32>} : memref<800x64xf32, #tpu.memory_space<vmem>>, vector<16xf32>,
          %add3A_232 = arith.addf %get3A_231, %get3A_51 : vector<16xf32>
          %get3A_233 = arith.index_cast %add3A_220 : i32 to index
          %get3A_234 = arith.constant 48 : index
          %get3A_235 = tpu.vector_load %arg9[%get3A_233, %get3A_234] {strides = array<i32>} : memref<800x64xf32, #tpu.memory_space<vmem>>, vector<16xf32>,
          %add3A_236 = arith.addf %get3A_235, %get3A_54 : vector<16xf32>
          %add3A_237 = arith.addf %add3A_224, %add3A_228 : vector<16xf32>
          %add3A_238 = arith.addf %add3A_232, %add3A_236 : vector<16xf32>
          %add3A_239 = arith.addf %add3A_237, %add3A_238 : vector<16xf32>
          %iota3A_240 = tpu.iota {dimensions = array<i32: 0>} : vector<16xi32>
          %xor3A_241 = arith.constant 8 : i32
          %xor3A_242 = vector.broadcast %xor3A_241 : i32 to vector<16xi32>
          %xor3A_243 = arith.xori %iota3A_240, %xor3A_242 : vector<16xi32>
          %broadcast_in_dim3A_244 = vector.shape_cast %xor3A_243 : vector<16xi32> to vector<16x1xi32>
          %gather3A_245 = vector.shape_cast %broadcast_in_dim3A_244 : vector<16x1xi32> to vector<16xi32>
          %gather3A_246 = tpu.dynamic_gather %add3A_239[%gather3A_245] in [0] : vector<16xf32>, vector<16xi32> -> vector<16xf32>
          %add3A_247 = arith.addf %add3A_239, %gather3A_246 : vector<16xf32>
          %iota3A_248 = tpu.iota {dimensions = array<i32: 0>} : vector<16xi32>
          %xor3A_249 = arith.constant 4 : i32
          %xor3A_250 = vector.broadcast %xor3A_249 : i32 to vector<16xi32>
          %xor3A_251 = arith.xori %iota3A_248, %xor3A_250 : vector<16xi32>
          %broadcast_in_dim3A_252 = vector.shape_cast %xor3A_251 : vector<16xi32> to vector<16x1xi32>
          %gather3A_253 = vector.shape_cast %broadcast_in_dim3A_252 : vector<16x1xi32> to vector<16xi32>
          %gather3A_254 = tpu.dynamic_gather %add3A_247[%gather3A_253] in [0] : vector<16xf32>, vector<16xi32> -> vector<16xf32>
          %add3A_255 = arith.addf %add3A_247, %gather3A_254 : vector<16xf32>
          %iota3A_256 = tpu.iota {dimensions = array<i32: 0>} : vector<16xi32>
          %xor3A_257 = arith.constant 2 : i32
          %xor3A_258 = vector.broadcast %xor3A_257 : i32 to vector<16xi32>
          %xor3A_259 = arith.xori %iota3A_256, %xor3A_258 : vector<16xi32>
          %broadcast_in_dim3A_260 = vector.shape_cast %xor3A_259 : vector<16xi32> to vector<16x1xi32>
          %gather3A_261 = vector.shape_cast %broadcast_in_dim3A_260 : vector<16x1xi32> to vector<16xi32>
          %gather3A_262 = tpu.dynamic_gather %add3A_255[%gather3A_261] in [0] : vector<16xf32>, vector<16xi32> -> vector<16xf32>
          %add3A_263 = arith.addf %add3A_255, %gather3A_262 : vector<16xf32>
          %iota3A_264 = tpu.iota {dimensions = array<i32: 0>} : vector<16xi32>
          %xor3A_265 = arith.constant 1 : i32
          %xor3A_266 = vector.broadcast %xor3A_265 : i32 to vector<16xi32>
          %xor3A_267 = arith.xori %iota3A_264, %xor3A_266 : vector<16xi32>
          %broadcast_in_dim3A_268 = vector.shape_cast %xor3A_267 : vector<16xi32> to vector<16x1xi32>
          %gather3A_269 = vector.shape_cast %broadcast_in_dim3A_268 : vector<16x1xi32> to vector<16xi32>
          %gather3A_270 = tpu.dynamic_gather %add3A_263[%gather3A_269] in [0] : vector<16xf32>, vector<16xi32> -> vector<16xf32>
          %add3A_271 = arith.addf %add3A_263, %gather3A_270 : vector<16xf32>
          %mul3A_272 = arith.mulf %add3A_224, %add3A_224 : vector<16xf32>
          %mul3A_273 = arith.mulf %add3A_228, %add3A_228 : vector<16xf32>
          %add3A_274 = arith.addf %mul3A_272, %mul3A_273 : vector<16xf32>
          %mul3A_275 = arith.mulf %add3A_232, %add3A_232 : vector<16xf32>
          %mul3A_276 = arith.mulf %add3A_236, %add3A_236 : vector<16xf32>
          %add3A_277 = arith.addf %mul3A_275, %mul3A_276 : vector<16xf32>
          %add3A_278 = arith.addf %add3A_274, %add3A_277 : vector<16xf32>
          %iota3A_279 = tpu.iota {dimensions = array<i32: 0>} : vector<16xi32>
          %xor3A_280 = arith.constant 8 : i32
          %xor3A_281 = vector.broadcast %xor3A_280 : i32 to vector<16xi32>
          %xor3A_282 = arith.xori %iota3A_279, %xor3A_281 : vector<16xi32>
          %broadcast_in_dim3A_283 = vector.shape_cast %xor3A_282 : vector<16xi32> to vector<16x1xi32>
          %gather3A_284 = vector.shape_cast %broadcast_in_dim3A_283 : vector<16x1xi32> to vector<16xi32>
          %gather3A_285 = tpu.dynamic_gather %add3A_278[%gather3A_284] in [0] : vector<16xf32>, vector<16xi32> -> vector<16xf32>
          %add3A_286 = arith.addf %add3A_278, %gather3A_285 : vector<16xf32>
          %iota3A_287 = tpu.iota {dimensions = array<i32: 0>} : vector<16xi32>
          %xor3A_288 = arith.constant 4 : i32
          %xor3A_289 = vector.broadcast %xor3A_288 : i32 to vector<16xi32>
          %xor3A_290 = arith.xori %iota3A_287, %xor3A_289 : vector<16xi32>
          %broadcast_in_dim3A_291 = vector.shape_cast %xor3A_290 : vector<16xi32> to vector<16x1xi32>
          %gather3A_292 = vector.shape_cast %broadcast_in_dim3A_291 : vector<16x1xi32> to vector<16xi32>
          %gather3A_293 = tpu.dynamic_gather %add3A_286[%gather3A_292] in [0] : vector<16xf32>, vector<16xi32> -> vector<16xf32>
          %add3A_294 = arith.addf %add3A_286, %gather3A_293 : vector<16xf32>
          %iota3A_295 = tpu.iota {dimensions = array<i32: 0>} : vector<16xi32>
          %xor3A_296 = arith.constant 2 : i32
          %xor3A_297 = vector.broadcast %xor3A_296 : i32 to vector<16xi32>
          %xor3A_298 = arith.xori %iota3A_295, %xor3A_297 : vector<16xi32>
          %broadcast_in_dim3A_299 = vector.shape_cast %xor3A_298 : vector<16xi32> to vector<16x1xi32>
          %gather3A_300 = vector.shape_cast %broadcast_in_dim3A_299 : vector<16x1xi32> to vector<16xi32>
          %gather3A_301 = tpu.dynamic_gather %add3A_294[%gather3A_300] in [0] : vector<16xf32>, vector<16xi32> -> vector<16xf32>
          %add3A_302 = arith.addf %add3A_294, %gather3A_301 : vector<16xf32>
          %iota3A_303 = tpu.iota {dimensions = array<i32: 0>} : vector<16xi32>
          %xor3A_304 = arith.constant 1 : i32
          %xor3A_305 = vector.broadcast %xor3A_304 : i32 to vector<16xi32>
          %xor3A_306 = arith.xori %iota3A_303, %xor3A_305 : vector<16xi32>
          %broadcast_in_dim3A_307 = vector.shape_cast %xor3A_306 : vector<16xi32> to vector<16x1xi32>
          %gather3A_308 = vector.shape_cast %broadcast_in_dim3A_307 : vector<16x1xi32> to vector<16xi32>
          %gather3A_309 = tpu.dynamic_gather %add3A_302[%gather3A_308] in [0] : vector<16xf32>, vector<16xi32> -> vector<16xf32>
          %add3A_310 = arith.addf %add3A_302, %gather3A_309 : vector<16xf32>
          %mul3A_311 = arith.constant 1.562500e-02 : f32
          %mul3A_312 = vector.broadcast %mul3A_311 : f32 to vector<16xf32>
          %mul3A_313 = arith.mulf %add3A_271, %mul3A_312 : vector<16xf32>
          %mul3A_314 = arith.constant 1.562500e-02 : f32
          %mul3A_315 = vector.broadcast %mul3A_314 : f32 to vector<16xf32>
          %mul3A_316 = arith.mulf %add3A_310, %mul3A_315 : vector<16xf32>
          %mul3A_317 = arith.mulf %mul3A_313, %mul3A_313 : vector<16xf32>
          %sub3A_318 = arith.subf %mul3A_316, %mul3A_317 : vector<16xf32>
          %add3A_319 = arith.constant 9.99999974E-6 : f32
          %add3A_320 = vector.broadcast %add3A_319 : f32 to vector<16xf32>
          %add3A_321 = arith.addf %sub3A_318, %add3A_320 : vector<16xf32>
          %bitcast3A_322 = vector.bitcast %add3A_321 : vector<16xf32> to vector<16xi32>
          %shift_right_logical3A_323 = arith.constant 1 : i32
          %shift_right_logical3A_324 = vector.broadcast %shift_right_logical3A_323 : i32 to vector<16xi32>
          %shift_right_logical3A_325 = arith.shrui %bitcast3A_322, %shift_right_logical3A_324 : vector<16xi32>
          %sub3A_326 = arith.constant 1597463007 : i32
          %sub3A_327 = vector.broadcast %sub3A_326 : i32 to vector<16xi32>
          %sub3A_328 = arith.subi %sub3A_327, %shift_right_logical3A_325 : vector<16xi32>
          %bitcast3A_329 = vector.bitcast %sub3A_328 : vector<16xi32> to vector<16xf32>
          %mul3A_330 = arith.constant 5.000000e-01 : f32
          %mul3A_331 = vector.broadcast %mul3A_330 : f32 to vector<16xf32>
          %mul3A_332 = arith.mulf %mul3A_331, %add3A_321 : vector<16xf32>
          %mul3A_333 = arith.mulf %mul3A_332, %bitcast3A_329 : vector<16xf32>
          %mul3A_334 = arith.mulf %mul3A_333, %bitcast3A_329 : vector<16xf32>
          %sub3A_335 = arith.constant 1.500000e+00 : f32
          %sub3A_336 = vector.broadcast %sub3A_335 : f32 to vector<16xf32>
          %sub3A_337 = arith.subf %sub3A_336, %mul3A_334 : vector<16xf32>
          %mul3A_338 = arith.mulf %bitcast3A_329, %sub3A_337 : vector<16xf32>
          %mul3A_339 = arith.constant 5.000000e-01 : f32
          %mul3A_340 = vector.broadcast %mul3A_339 : f32 to vector<16xf32>
          %mul3A_341 = arith.mulf %mul3A_340, %add3A_321 : vector<16xf32>
          %mul3A_342 = arith.mulf %mul3A_341, %mul3A_338 : vector<16xf32>
          %mul3A_343 = arith.mulf %mul3A_342, %mul3A_338 : vector<16xf32>
          %sub3A_344 = arith.constant 1.500000e+00 : f32
          %sub3A_345 = vector.broadcast %sub3A_344 : f32 to vector<16xf32>
          %sub3A_346 = arith.subf %sub3A_345, %mul3A_343 : vector<16xf32>
          %mul3A_347 = arith.mulf %mul3A_338, %sub3A_346 : vector<16xf32>
          %sub3A_348 = arith.subf %add3A_224, %mul3A_313 : vector<16xf32>
          %mul3A_349 = arith.mulf %sub3A_348, %mul3A_347 : vector<16xf32>
          %mul3A_350 = arith.mulf %mul3A_349, %get3A_1 : vector<16xf32>
          %add3A_351 = arith.addf %mul3A_350, %get3A_9 : vector<16xf32>
          %swap3A_352 = arith.index_cast %add3A_220 : i32 to index
          %swap3A_353 = arith.constant 0 : index
          %swap3A_354 = tpu.vector_load %arg9[%swap3A_352, %swap3A_353] {strides = array<i32>} : memref<800x64xf32, #tpu.memory_space<vmem>>, vector<16xf32>,
          tpu.vector_store %arg9[%swap3A_352, %swap3A_353], %add3A_351 {strides = array<i32>} : memref<800x64xf32, #tpu.memory_space<vmem>>, vector<16xf32>,
          %sub3A_355 = arith.subf %add3A_228, %mul3A_313 : vector<16xf32>
          %mul3A_356 = arith.mulf %sub3A_355, %mul3A_347 : vector<16xf32>
          %mul3A_357 = arith.mulf %mul3A_356, %get3A_3 : vector<16xf32>
          %add3A_358 = arith.addf %mul3A_357, %get3A_11 : vector<16xf32>
          %swap3A_359 = arith.index_cast %add3A_220 : i32 to index
          %swap3A_360 = arith.constant 16 : index
          %swap3A_361 = tpu.vector_load %arg9[%swap3A_359, %swap3A_360] {strides = array<i32>} : memref<800x64xf32, #tpu.memory_space<vmem>>, vector<16xf32>,
          tpu.vector_store %arg9[%swap3A_359, %swap3A_360], %add3A_358 {strides = array<i32>} : memref<800x64xf32, #tpu.memory_space<vmem>>, vector<16xf32>,
          %sub3A_362 = arith.subf %add3A_232, %mul3A_313 : vector<16xf32>
          %mul3A_363 = arith.mulf %sub3A_362, %mul3A_347 : vector<16xf32>
          %mul3A_364 = arith.mulf %mul3A_363, %get3A_5 : vector<16xf32>
          %add3A_365 = arith.addf %mul3A_364, %get3A_13 : vector<16xf32>
          %swap3A_366 = arith.index_cast %add3A_220 : i32 to index
          %swap3A_367 = arith.constant 32 : index
          %swap3A_368 = tpu.vector_load %arg9[%swap3A_366, %swap3A_367] {strides = array<i32>} : memref<800x64xf32, #tpu.memory_space<vmem>>, vector<16xf32>,
          tpu.vector_store %arg9[%swap3A_366, %swap3A_367], %add3A_365 {strides = array<i32>} : memref<800x64xf32, #tpu.memory_space<vmem>>, vector<16xf32>,
          %sub3A_369 = arith.subf %add3A_236, %mul3A_313 : vector<16xf32>
          %mul3A_370 = arith.mulf %sub3A_369, %mul3A_347 : vector<16xf32>
          %mul3A_371 = arith.mulf %mul3A_370, %get3A_7 : vector<16xf32>
          %add3A_372 = arith.addf %mul3A_371, %get3A_15 : vector<16xf32>
          %swap3A_373 = arith.index_cast %add3A_220 : i32 to index
          %swap3A_374 = arith.constant 48 : index
          %swap3A_375 = tpu.vector_load %arg9[%swap3A_373, %swap3A_374] {strides = array<i32>} : memref<800x64xf32, #tpu.memory_space<vmem>>, vector<16xf32>,
          tpu.vector_store %arg9[%swap3A_373, %swap3A_374], %add3A_372 {strides = array<i32>} : memref<800x64xf32, #tpu.memory_space<vmem>>, vector<16xf32>,
          %scan3A_376 = arith.constant 0 : i32
          %scan3A_377 = arith.constant 2 : i32
          %scan3A_378 = arith.addi %scan3A_63, %scan3A_377 : i32
          %mul3A_379 = arith.constant 50 : i32
          %mul3A_380 = arith.muli %scan3A_378, %mul3A_379 : i32
          %add3A_381 = arith.addi %mul3A_380, %scan3A_41 : i32
          %get3A_382 = arith.index_cast %add3A_381 : i32 to index
          %get3A_383 = arith.constant 0 : index
          %get3A_384 = tpu.vector_load %arg9[%get3A_382, %get3A_383] {strides = array<i32>} : memref<800x64xf32, #tpu.memory_space<vmem>>, vector<16xf32>,
          %add3A_385 = arith.addf %get3A_384, %get3A_45 : vector<16xf32>
          %get3A_386 = arith.index_cast %add3A_381 : i32 to index
          %get3A_387 = arith.constant 16 : index
          %get3A_388 = tpu.vector_load %arg9[%get3A_386, %get3A_387] {strides = array<i32>} : memref<800x64xf32, #tpu.memory_space<vmem>>, vector<16xf32>,
          %add3A_389 = arith.addf %get3A_388, %get3A_48 : vector<16xf32>
          %get3A_390 = arith.index_cast %add3A_381 : i32 to index
          %get3A_391 = arith.constant 32 : index
          %get3A_392 = tpu.vector_load %arg9[%get3A_390, %get3A_391] {strides = array<i32>} : memref<800x64xf32, #tpu.memory_space<vmem>>, vector<16xf32>,
          %add3A_393 = arith.addf %get3A_392, %get3A_51 : vector<16xf32>
          %get3A_394 = arith.index_cast %add3A_381 : i32 to index
          %get3A_395 = arith.constant 48 : index
          %get3A_396 = tpu.vector_load %arg9[%get3A_394, %get3A_395] {strides = array<i32>} : memref<800x64xf32, #tpu.memory_space<vmem>>, vector<16xf32>,
          %add3A_397 = arith.addf %get3A_396, %get3A_54 : vector<16xf32>
          %add3A_398 = arith.addf %add3A_385, %add3A_389 : vector<16xf32>
          %add3A_399 = arith.addf %add3A_393, %add3A_397 : vector<16xf32>
          %add3A_400 = arith.addf %add3A_398, %add3A_399 : vector<16xf32>
          %iota3A_401 = tpu.iota {dimensions = array<i32: 0>} : vector<16xi32>
          %xor3A_402 = arith.constant 8 : i32
          %xor3A_403 = vector.broadcast %xor3A_402 : i32 to vector<16xi32>
          %xor3A_404 = arith.xori %iota3A_401, %xor3A_403 : vector<16xi32>
          %broadcast_in_dim3A_405 = vector.shape_cast %xor3A_404 : vector<16xi32> to vector<16x1xi32>
          %gather3A_406 = vector.shape_cast %broadcast_in_dim3A_405 : vector<16x1xi32> to vector<16xi32>
          %gather3A_407 = tpu.dynamic_gather %add3A_400[%gather3A_406] in [0] : vector<16xf32>, vector<16xi32> -> vector<16xf32>
          %add3A_408 = arith.addf %add3A_400, %gather3A_407 : vector<16xf32>
          %iota3A_409 = tpu.iota {dimensions = array<i32: 0>} : vector<16xi32>
          %xor3A_410 = arith.constant 4 : i32
          %xor3A_411 = vector.broadcast %xor3A_410 : i32 to vector<16xi32>
          %xor3A_412 = arith.xori %iota3A_409, %xor3A_411 : vector<16xi32>
          %broadcast_in_dim3A_413 = vector.shape_cast %xor3A_412 : vector<16xi32> to vector<16x1xi32>
          %gather3A_414 = vector.shape_cast %broadcast_in_dim3A_413 : vector<16x1xi32> to vector<16xi32>
          %gather3A_415 = tpu.dynamic_gather %add3A_408[%gather3A_414] in [0] : vector<16xf32>, vector<16xi32> -> vector<16xf32>
          %add3A_416 = arith.addf %add3A_408, %gather3A_415 : vector<16xf32>
          %iota3A_417 = tpu.iota {dimensions = array<i32: 0>} : vector<16xi32>
          %xor3A_418 = arith.constant 2 : i32
          %xor3A_419 = vector.broadcast %xor3A_418 : i32 to vector<16xi32>
          %xor3A_420 = arith.xori %iota3A_417, %xor3A_419 : vector<16xi32>
          %broadcast_in_dim3A_421 = vector.shape_cast %xor3A_420 : vector<16xi32> to vector<16x1xi32>
          %gather3A_422 = vector.shape_cast %broadcast_in_dim3A_421 : vector<16x1xi32> to vector<16xi32>
          %gather3A_423 = tpu.dynamic_gather %add3A_416[%gather3A_422] in [0] : vector<16xf32>, vector<16xi32> -> vector<16xf32>
          %add3A_424 = arith.addf %add3A_416, %gather3A_423 : vector<16xf32>
          %iota3A_425 = tpu.iota {dimensions = array<i32: 0>} : vector<16xi32>
          %xor3A_426 = arith.constant 1 : i32
          %xor3A_427 = vector.broadcast %xor3A_426 : i32 to vector<16xi32>
          %xor3A_428 = arith.xori %iota3A_425, %xor3A_427 : vector<16xi32>
          %broadcast_in_dim3A_429 = vector.shape_cast %xor3A_428 : vector<16xi32> to vector<16x1xi32>
          %gather3A_430 = vector.shape_cast %broadcast_in_dim3A_429 : vector<16x1xi32> to vector<16xi32>
          %gather3A_431 = tpu.dynamic_gather %add3A_424[%gather3A_430] in [0] : vector<16xf32>, vector<16xi32> -> vector<16xf32>
          %add3A_432 = arith.addf %add3A_424, %gather3A_431 : vector<16xf32>
          %mul3A_433 = arith.mulf %add3A_385, %add3A_385 : vector<16xf32>
          %mul3A_434 = arith.mulf %add3A_389, %add3A_389 : vector<16xf32>
          %add3A_435 = arith.addf %mul3A_433, %mul3A_434 : vector<16xf32>
          %mul3A_436 = arith.mulf %add3A_393, %add3A_393 : vector<16xf32>
          %mul3A_437 = arith.mulf %add3A_397, %add3A_397 : vector<16xf32>
          %add3A_438 = arith.addf %mul3A_436, %mul3A_437 : vector<16xf32>
          %add3A_439 = arith.addf %add3A_435, %add3A_438 : vector<16xf32>
          %iota3A_440 = tpu.iota {dimensions = array<i32: 0>} : vector<16xi32>
          %xor3A_441 = arith.constant 8 : i32
          %xor3A_442 = vector.broadcast %xor3A_441 : i32 to vector<16xi32>
          %xor3A_443 = arith.xori %iota3A_440, %xor3A_442 : vector<16xi32>
          %broadcast_in_dim3A_444 = vector.shape_cast %xor3A_443 : vector<16xi32> to vector<16x1xi32>
          %gather3A_445 = vector.shape_cast %broadcast_in_dim3A_444 : vector<16x1xi32> to vector<16xi32>
          %gather3A_446 = tpu.dynamic_gather %add3A_439[%gather3A_445] in [0] : vector<16xf32>, vector<16xi32> -> vector<16xf32>
          %add3A_447 = arith.addf %add3A_439, %gather3A_446 : vector<16xf32>
          %iota3A_448 = tpu.iota {dimensions = array<i32: 0>} : vector<16xi32>
          %xor3A_449 = arith.constant 4 : i32
          %xor3A_450 = vector.broadcast %xor3A_449 : i32 to vector<16xi32>
          %xor3A_451 = arith.xori %iota3A_448, %xor3A_450 : vector<16xi32>
          %broadcast_in_dim3A_452 = vector.shape_cast %xor3A_451 : vector<16xi32> to vector<16x1xi32>
          %gather3A_453 = vector.shape_cast %broadcast_in_dim3A_452 : vector<16x1xi32> to vector<16xi32>
          %gather3A_454 = tpu.dynamic_gather %add3A_447[%gather3A_453] in [0] : vector<16xf32>, vector<16xi32> -> vector<16xf32>
          %add3A_455 = arith.addf %add3A_447, %gather3A_454 : vector<16xf32>
          %iota3A_456 = tpu.iota {dimensions = array<i32: 0>} : vector<16xi32>
          %xor3A_457 = arith.constant 2 : i32
          %xor3A_458 = vector.broadcast %xor3A_457 : i32 to vector<16xi32>
          %xor3A_459 = arith.xori %iota3A_456, %xor3A_458 : vector<16xi32>
          %broadcast_in_dim3A_460 = vector.shape_cast %xor3A_459 : vector<16xi32> to vector<16x1xi32>
          %gather3A_461 = vector.shape_cast %broadcast_in_dim3A_460 : vector<16x1xi32> to vector<16xi32>
          %gather3A_462 = tpu.dynamic_gather %add3A_455[%gather3A_461] in [0] : vector<16xf32>, vector<16xi32> -> vector<16xf32>
          %add3A_463 = arith.addf %add3A_455, %gather3A_462 : vector<16xf32>
          %iota3A_464 = tpu.iota {dimensions = array<i32: 0>} : vector<16xi32>
          %xor3A_465 = arith.constant 1 : i32
          %xor3A_466 = vector.broadcast %xor3A_465 : i32 to vector<16xi32>
          %xor3A_467 = arith.xori %iota3A_464, %xor3A_466 : vector<16xi32>
          %broadcast_in_dim3A_468 = vector.shape_cast %xor3A_467 : vector<16xi32> to vector<16x1xi32>
          %gather3A_469 = vector.shape_cast %broadcast_in_dim3A_468 : vector<16x1xi32> to vector<16xi32>
          %gather3A_470 = tpu.dynamic_gather %add3A_463[%gather3A_469] in [0] : vector<16xf32>, vector<16xi32> -> vector<16xf32>
          %add3A_471 = arith.addf %add3A_463, %gather3A_470 : vector<16xf32>
          %mul3A_472 = arith.constant 1.562500e-02 : f32
          %mul3A_473 = vector.broadcast %mul3A_472 : f32 to vector<16xf32>
          %mul3A_474 = arith.mulf %add3A_432, %mul3A_473 : vector<16xf32>
          %mul3A_475 = arith.constant 1.562500e-02 : f32
          %mul3A_476 = vector.broadcast %mul3A_475 : f32 to vector<16xf32>
          %mul3A_477 = arith.mulf %add3A_471, %mul3A_476 : vector<16xf32>
          %mul3A_478 = arith.mulf %mul3A_474, %mul3A_474 : vector<16xf32>
          %sub3A_479 = arith.subf %mul3A_477, %mul3A_478 : vector<16xf32>
          %add3A_480 = arith.constant 9.99999974E-6 : f32
          %add3A_481 = vector.broadcast %add3A_480 : f32 to vector<16xf32>
          %add3A_482 = arith.addf %sub3A_479, %add3A_481 : vector<16xf32>
          %bitcast3A_483 = vector.bitcast %add3A_482 : vector<16xf32> to vector<16xi32>
          %shift_right_logical3A_484 = arith.constant 1 : i32
          %shift_right_logical3A_485 = vector.broadcast %shift_right_logical3A_484 : i32 to vector<16xi32>
          %shift_right_logical3A_486 = arith.shrui %bitcast3A_483, %shift_right_logical3A_485 : vector<16xi32>
          %sub3A_487 = arith.constant 1597463007 : i32
          %sub3A_488 = vector.broadcast %sub3A_487 : i32 to vector<16xi32>
          %sub3A_489 = arith.subi %sub3A_488, %shift_right_logical3A_486 : vector<16xi32>
          %bitcast3A_490 = vector.bitcast %sub3A_489 : vector<16xi32> to vector<16xf32>
          %mul3A_491 = arith.constant 5.000000e-01 : f32
          %mul3A_492 = vector.broadcast %mul3A_491 : f32 to vector<16xf32>
          %mul3A_493 = arith.mulf %mul3A_492, %add3A_482 : vector<16xf32>
          %mul3A_494 = arith.mulf %mul3A_493, %bitcast3A_490 : vector<16xf32>
          %mul3A_495 = arith.mulf %mul3A_494, %bitcast3A_490 : vector<16xf32>
          %sub3A_496 = arith.constant 1.500000e+00 : f32
          %sub3A_497 = vector.broadcast %sub3A_496 : f32 to vector<16xf32>
          %sub3A_498 = arith.subf %sub3A_497, %mul3A_495 : vector<16xf32>
          %mul3A_499 = arith.mulf %bitcast3A_490, %sub3A_498 : vector<16xf32>
          %mul3A_500 = arith.constant 5.000000e-01 : f32
          %mul3A_501 = vector.broadcast %mul3A_500 : f32 to vector<16xf32>
          %mul3A_502 = arith.mulf %mul3A_501, %add3A_482 : vector<16xf32>
          %mul3A_503 = arith.mulf %mul3A_502, %mul3A_499 : vector<16xf32>
          %mul3A_504 = arith.mulf %mul3A_503, %mul3A_499 : vector<16xf32>
          %sub3A_505 = arith.constant 1.500000e+00 : f32
          %sub3A_506 = vector.broadcast %sub3A_505 : f32 to vector<16xf32>
          %sub3A_507 = arith.subf %sub3A_506, %mul3A_504 : vector<16xf32>
          %mul3A_508 = arith.mulf %mul3A_499, %sub3A_507 : vector<16xf32>
          %sub3A_509 = arith.subf %add3A_385, %mul3A_474 : vector<16xf32>
          %mul3A_510 = arith.mulf %sub3A_509, %mul3A_508 : vector<16xf32>
          %mul3A_511 = arith.mulf %mul3A_510, %get3A_1 : vector<16xf32>
          %add3A_512 = arith.addf %mul3A_511, %get3A_9 : vector<16xf32>
          %swap3A_513 = arith.index_cast %add3A_381 : i32 to index
          %swap3A_514 = arith.constant 0 : index
          %swap3A_515 = tpu.vector_load %arg9[%swap3A_513, %swap3A_514] {strides = array<i32>} : memref<800x64xf32, #tpu.memory_space<vmem>>, vector<16xf32>,
          tpu.vector_store %arg9[%swap3A_513, %swap3A_514], %add3A_512 {strides = array<i32>} : memref<800x64xf32, #tpu.memory_space<vmem>>, vector<16xf32>,
          %sub3A_516 = arith.subf %add3A_389, %mul3A_474 : vector<16xf32>
          %mul3A_517 = arith.mulf %sub3A_516, %mul3A_508 : vector<16xf32>
          %mul3A_518 = arith.mulf %mul3A_517, %get3A_3 : vector<16xf32>
          %add3A_519 = arith.addf %mul3A_518, %get3A_11 : vector<16xf32>
          %swap3A_520 = arith.index_cast %add3A_381 : i32 to index
          %swap3A_521 = arith.constant 16 : index
          %swap3A_522 = tpu.vector_load %arg9[%swap3A_520, %swap3A_521] {strides = array<i32>} : memref<800x64xf32, #tpu.memory_space<vmem>>, vector<16xf32>,
          tpu.vector_store %arg9[%swap3A_520, %swap3A_521], %add3A_519 {strides = array<i32>} : memref<800x64xf32, #tpu.memory_space<vmem>>, vector<16xf32>,
          %sub3A_523 = arith.subf %add3A_393, %mul3A_474 : vector<16xf32>
          %mul3A_524 = arith.mulf %sub3A_523, %mul3A_508 : vector<16xf32>
          %mul3A_525 = arith.mulf %mul3A_524, %get3A_5 : vector<16xf32>
          %add3A_526 = arith.addf %mul3A_525, %get3A_13 : vector<16xf32>
          %swap3A_527 = arith.index_cast %add3A_381 : i32 to index
          %swap3A_528 = arith.constant 32 : index
          %swap3A_529 = tpu.vector_load %arg9[%swap3A_527, %swap3A_528] {strides = array<i32>} : memref<800x64xf32, #tpu.memory_space<vmem>>, vector<16xf32>,
          tpu.vector_store %arg9[%swap3A_527, %swap3A_528], %add3A_526 {strides = array<i32>} : memref<800x64xf32, #tpu.memory_space<vmem>>, vector<16xf32>,
          %sub3A_530 = arith.subf %add3A_397, %mul3A_474 : vector<16xf32>
          %mul3A_531 = arith.mulf %sub3A_530, %mul3A_508 : vector<16xf32>
          %mul3A_532 = arith.mulf %mul3A_531, %get3A_7 : vector<16xf32>
          %add3A_533 = arith.addf %mul3A_532, %get3A_15 : vector<16xf32>
          %swap3A_534 = arith.index_cast %add3A_381 : i32 to index
          %swap3A_535 = arith.constant 48 : index
          %swap3A_536 = tpu.vector_load %arg9[%swap3A_534, %swap3A_535] {strides = array<i32>} : memref<800x64xf32, #tpu.memory_space<vmem>>, vector<16xf32>,
          tpu.vector_store %arg9[%swap3A_534, %swap3A_535], %add3A_533 {strides = array<i32>} : memref<800x64xf32, #tpu.memory_space<vmem>>, vector<16xf32>,
          %scan3A_537 = arith.constant 0 : i32
          %scan3A_538 = arith.constant 3 : i32
          %scan3A_539 = arith.addi %scan3A_63, %scan3A_538 : i32
          %mul3A_540 = arith.constant 50 : i32
          %mul3A_541 = arith.muli %scan3A_539, %mul3A_540 : i32
          %add3A_542 = arith.addi %mul3A_541, %scan3A_41 : i32
          %get3A_543 = arith.index_cast %add3A_542 : i32 to index
          %get3A_544 = arith.constant 0 : index
          %get3A_545 = tpu.vector_load %arg9[%get3A_543, %get3A_544] {strides = array<i32>} : memref<800x64xf32, #tpu.memory_space<vmem>>, vector<16xf32>,
          %add3A_546 = arith.addf %get3A_545, %get3A_45 : vector<16xf32>
          %get3A_547 = arith.index_cast %add3A_542 : i32 to index
          %get3A_548 = arith.constant 16 : index
          %get3A_549 = tpu.vector_load %arg9[%get3A_547, %get3A_548] {strides = array<i32>} : memref<800x64xf32, #tpu.memory_space<vmem>>, vector<16xf32>,
          %add3A_550 = arith.addf %get3A_549, %get3A_48 : vector<16xf32>
          %get3A_551 = arith.index_cast %add3A_542 : i32 to index
          %get3A_552 = arith.constant 32 : index
          %get3A_553 = tpu.vector_load %arg9[%get3A_551, %get3A_552] {strides = array<i32>} : memref<800x64xf32, #tpu.memory_space<vmem>>, vector<16xf32>,
          %add3A_554 = arith.addf %get3A_553, %get3A_51 : vector<16xf32>
          %get3A_555 = arith.index_cast %add3A_542 : i32 to index
          %get3A_556 = arith.constant 48 : index
          %get3A_557 = tpu.vector_load %arg9[%get3A_555, %get3A_556] {strides = array<i32>} : memref<800x64xf32, #tpu.memory_space<vmem>>, vector<16xf32>,
          %add3A_558 = arith.addf %get3A_557, %get3A_54 : vector<16xf32>
          %add3A_559 = arith.addf %add3A_546, %add3A_550 : vector<16xf32>
          %add3A_560 = arith.addf %add3A_554, %add3A_558 : vector<16xf32>
          %add3A_561 = arith.addf %add3A_559, %add3A_560 : vector<16xf32>
          %iota3A_562 = tpu.iota {dimensions = array<i32: 0>} : vector<16xi32>
          %xor3A_563 = arith.constant 8 : i32
          %xor3A_564 = vector.broadcast %xor3A_563 : i32 to vector<16xi32>
          %xor3A_565 = arith.xori %iota3A_562, %xor3A_564 : vector<16xi32>
          %broadcast_in_dim3A_566 = vector.shape_cast %xor3A_565 : vector<16xi32> to vector<16x1xi32>
          %gather3A_567 = vector.shape_cast %broadcast_in_dim3A_566 : vector<16x1xi32> to vector<16xi32>
          %gather3A_568 = tpu.dynamic_gather %add3A_561[%gather3A_567] in [0] : vector<16xf32>, vector<16xi32> -> vector<16xf32>
          %add3A_569 = arith.addf %add3A_561, %gather3A_568 : vector<16xf32>
          %iota3A_570 = tpu.iota {dimensions = array<i32: 0>} : vector<16xi32>
          %xor3A_571 = arith.constant 4 : i32
          %xor3A_572 = vector.broadcast %xor3A_571 : i32 to vector<16xi32>
          %xor3A_573 = arith.xori %iota3A_570, %xor3A_572 : vector<16xi32>
          %broadcast_in_dim3A_574 = vector.shape_cast %xor3A_573 : vector<16xi32> to vector<16x1xi32>
          %gather3A_575 = vector.shape_cast %broadcast_in_dim3A_574 : vector<16x1xi32> to vector<16xi32>
          %gather3A_576 = tpu.dynamic_gather %add3A_569[%gather3A_575] in [0] : vector<16xf32>, vector<16xi32> -> vector<16xf32>
          %add3A_577 = arith.addf %add3A_569, %gather3A_576 : vector<16xf32>
          %iota3A_578 = tpu.iota {dimensions = array<i32: 0>} : vector<16xi32>
          %xor3A_579 = arith.constant 2 : i32
          %xor3A_580 = vector.broadcast %xor3A_579 : i32 to vector<16xi32>
          %xor3A_581 = arith.xori %iota3A_578, %xor3A_580 : vector<16xi32>
          %broadcast_in_dim3A_582 = vector.shape_cast %xor3A_581 : vector<16xi32> to vector<16x1xi32>
          %gather3A_583 = vector.shape_cast %broadcast_in_dim3A_582 : vector<16x1xi32> to vector<16xi32>
          %gather3A_584 = tpu.dynamic_gather %add3A_577[%gather3A_583] in [0] : vector<16xf32>, vector<16xi32> -> vector<16xf32>
          %add3A_585 = arith.addf %add3A_577, %gather3A_584 : vector<16xf32>
          %iota3A_586 = tpu.iota {dimensions = array<i32: 0>} : vector<16xi32>
          %xor3A_587 = arith.constant 1 : i32
          %xor3A_588 = vector.broadcast %xor3A_587 : i32 to vector<16xi32>
          %xor3A_589 = arith.xori %iota3A_586, %xor3A_588 : vector<16xi32>
          %broadcast_in_dim3A_590 = vector.shape_cast %xor3A_589 : vector<16xi32> to vector<16x1xi32>
          %gather3A_591 = vector.shape_cast %broadcast_in_dim3A_590 : vector<16x1xi32> to vector<16xi32>
          %gather3A_592 = tpu.dynamic_gather %add3A_585[%gather3A_591] in [0] : vector<16xf32>, vector<16xi32> -> vector<16xf32>
          %add3A_593 = arith.addf %add3A_585, %gather3A_592 : vector<16xf32>
          %mul3A_594 = arith.mulf %add3A_546, %add3A_546 : vector<16xf32>
          %mul3A_595 = arith.mulf %add3A_550, %add3A_550 : vector<16xf32>
          %add3A_596 = arith.addf %mul3A_594, %mul3A_595 : vector<16xf32>
          %mul3A_597 = arith.mulf %add3A_554, %add3A_554 : vector<16xf32>
          %mul3A_598 = arith.mulf %add3A_558, %add3A_558 : vector<16xf32>
          %add3A_599 = arith.addf %mul3A_597, %mul3A_598 : vector<16xf32>
          %add3A_600 = arith.addf %add3A_596, %add3A_599 : vector<16xf32>
          %iota3A_601 = tpu.iota {dimensions = array<i32: 0>} : vector<16xi32>
          %xor3A_602 = arith.constant 8 : i32
          %xor3A_603 = vector.broadcast %xor3A_602 : i32 to vector<16xi32>
          %xor3A_604 = arith.xori %iota3A_601, %xor3A_603 : vector<16xi32>
          %broadcast_in_dim3A_605 = vector.shape_cast %xor3A_604 : vector<16xi32> to vector<16x1xi32>
          %gather3A_606 = vector.shape_cast %broadcast_in_dim3A_605 : vector<16x1xi32> to vector<16xi32>
          %gather3A_607 = tpu.dynamic_gather %add3A_600[%gather3A_606] in [0] : vector<16xf32>, vector<16xi32> -> vector<16xf32>
          %add3A_608 = arith.addf %add3A_600, %gather3A_607 : vector<16xf32>
          %iota3A_609 = tpu.iota {dimensions = array<i32: 0>} : vector<16xi32>
          %xor3A_610 = arith.constant 4 : i32
          %xor3A_611 = vector.broadcast %xor3A_610 : i32 to vector<16xi32>
          %xor3A_612 = arith.xori %iota3A_609, %xor3A_611 : vector<16xi32>
          %broadcast_in_dim3A_613 = vector.shape_cast %xor3A_612 : vector<16xi32> to vector<16x1xi32>
          %gather3A_614 = vector.shape_cast %broadcast_in_dim3A_613 : vector<16x1xi32> to vector<16xi32>
          %gather3A_615 = tpu.dynamic_gather %add3A_608[%gather3A_614] in [0] : vector<16xf32>, vector<16xi32> -> vector<16xf32>
          %add3A_616 = arith.addf %add3A_608, %gather3A_615 : vector<16xf32>
          %iota3A_617 = tpu.iota {dimensions = array<i32: 0>} : vector<16xi32>
          %xor3A_618 = arith.constant 2 : i32
          %xor3A_619 = vector.broadcast %xor3A_618 : i32 to vector<16xi32>
          %xor3A_620 = arith.xori %iota3A_617, %xor3A_619 : vector<16xi32>
          %broadcast_in_dim3A_621 = vector.shape_cast %xor3A_620 : vector<16xi32> to vector<16x1xi32>
          %gather3A_622 = vector.shape_cast %broadcast_in_dim3A_621 : vector<16x1xi32> to vector<16xi32>
          %gather3A_623 = tpu.dynamic_gather %add3A_616[%gather3A_622] in [0] : vector<16xf32>, vector<16xi32> -> vector<16xf32>
          %add3A_624 = arith.addf %add3A_616, %gather3A_623 : vector<16xf32>
          %iota3A_625 = tpu.iota {dimensions = array<i32: 0>} : vector<16xi32>
          %xor3A_626 = arith.constant 1 : i32
          %xor3A_627 = vector.broadcast %xor3A_626 : i32 to vector<16xi32>
          %xor3A_628 = arith.xori %iota3A_625, %xor3A_627 : vector<16xi32>
          %broadcast_in_dim3A_629 = vector.shape_cast %xor3A_628 : vector<16xi32> to vector<16x1xi32>
          %gather3A_630 = vector.shape_cast %broadcast_in_dim3A_629 : vector<16x1xi32> to vector<16xi32>
          %gather3A_631 = tpu.dynamic_gather %add3A_624[%gather3A_630] in [0] : vector<16xf32>, vector<16xi32> -> vector<16xf32>
          %add3A_632 = arith.addf %add3A_624, %gather3A_631 : vector<16xf32>
          %mul3A_633 = arith.constant 1.562500e-02 : f32
          %mul3A_634 = vector.broadcast %mul3A_633 : f32 to vector<16xf32>
          %mul3A_635 = arith.mulf %add3A_593, %mul3A_634 : vector<16xf32>
          %mul3A_636 = arith.constant 1.562500e-02 : f32
          %mul3A_637 = vector.broadcast %mul3A_636 : f32 to vector<16xf32>
          %mul3A_638 = arith.mulf %add3A_632, %mul3A_637 : vector<16xf32>
          %mul3A_639 = arith.mulf %mul3A_635, %mul3A_635 : vector<16xf32>
          %sub3A_640 = arith.subf %mul3A_638, %mul3A_639 : vector<16xf32>
          %add3A_641 = arith.constant 9.99999974E-6 : f32
          %add3A_642 = vector.broadcast %add3A_641 : f32 to vector<16xf32>
          %add3A_643 = arith.addf %sub3A_640, %add3A_642 : vector<16xf32>
          %bitcast3A_644 = vector.bitcast %add3A_643 : vector<16xf32> to vector<16xi32>
          %shift_right_logical3A_645 = arith.constant 1 : i32
          %shift_right_logical3A_646 = vector.broadcast %shift_right_logical3A_645 : i32 to vector<16xi32>
          %shift_right_logical3A_647 = arith.shrui %bitcast3A_644, %shift_right_logical3A_646 : vector<16xi32>
          %sub3A_648 = arith.constant 1597463007 : i32
          %sub3A_649 = vector.broadcast %sub3A_648 : i32 to vector<16xi32>
          %sub3A_650 = arith.subi %sub3A_649, %shift_right_logical3A_647 : vector<16xi32>
          %bitcast3A_651 = vector.bitcast %sub3A_650 : vector<16xi32> to vector<16xf32>
          %mul3A_652 = arith.constant 5.000000e-01 : f32
          %mul3A_653 = vector.broadcast %mul3A_652 : f32 to vector<16xf32>
          %mul3A_654 = arith.mulf %mul3A_653, %add3A_643 : vector<16xf32>
          %mul3A_655 = arith.mulf %mul3A_654, %bitcast3A_651 : vector<16xf32>
          %mul3A_656 = arith.mulf %mul3A_655, %bitcast3A_651 : vector<16xf32>
          %sub3A_657 = arith.constant 1.500000e+00 : f32
          %sub3A_658 = vector.broadcast %sub3A_657 : f32 to vector<16xf32>
          %sub3A_659 = arith.subf %sub3A_658, %mul3A_656 : vector<16xf32>
          %mul3A_660 = arith.mulf %bitcast3A_651, %sub3A_659 : vector<16xf32>
          %mul3A_661 = arith.constant 5.000000e-01 : f32
          %mul3A_662 = vector.broadcast %mul3A_661 : f32 to vector<16xf32>
          %mul3A_663 = arith.mulf %mul3A_662, %add3A_643 : vector<16xf32>
          %mul3A_664 = arith.mulf %mul3A_663, %mul3A_660 : vector<16xf32>
          %mul3A_665 = arith.mulf %mul3A_664, %mul3A_660 : vector<16xf32>
          %sub3A_666 = arith.constant 1.500000e+00 : f32
          %sub3A_667 = vector.broadcast %sub3A_666 : f32 to vector<16xf32>
          %sub3A_668 = arith.subf %sub3A_667, %mul3A_665 : vector<16xf32>
          %mul3A_669 = arith.mulf %mul3A_660, %sub3A_668 : vector<16xf32>
          %sub3A_670 = arith.subf %add3A_546, %mul3A_635 : vector<16xf32>
          %mul3A_671 = arith.mulf %sub3A_670, %mul3A_669 : vector<16xf32>
          %mul3A_672 = arith.mulf %mul3A_671, %get3A_1 : vector<16xf32>
          %add3A_673 = arith.addf %mul3A_672, %get3A_9 : vector<16xf32>
          %swap3A_674 = arith.index_cast %add3A_542 : i32 to index
          %swap3A_675 = arith.constant 0 : index
          %swap3A_676 = tpu.vector_load %arg9[%swap3A_674, %swap3A_675] {strides = array<i32>} : memref<800x64xf32, #tpu.memory_space<vmem>>, vector<16xf32>,
          tpu.vector_store %arg9[%swap3A_674, %swap3A_675], %add3A_673 {strides = array<i32>} : memref<800x64xf32, #tpu.memory_space<vmem>>, vector<16xf32>,
          %sub3A_677 = arith.subf %add3A_550, %mul3A_635 : vector<16xf32>
          %mul3A_678 = arith.mulf %sub3A_677, %mul3A_669 : vector<16xf32>
          %mul3A_679 = arith.mulf %mul3A_678, %get3A_3 : vector<16xf32>
          %add3A_680 = arith.addf %mul3A_679, %get3A_11 : vector<16xf32>
          %swap3A_681 = arith.index_cast %add3A_542 : i32 to index
          %swap3A_682 = arith.constant 16 : index
          %swap3A_683 = tpu.vector_load %arg9[%swap3A_681, %swap3A_682] {strides = array<i32>} : memref<800x64xf32, #tpu.memory_space<vmem>>, vector<16xf32>,
          tpu.vector_store %arg9[%swap3A_681, %swap3A_682], %add3A_680 {strides = array<i32>} : memref<800x64xf32, #tpu.memory_space<vmem>>, vector<16xf32>,
          %sub3A_684 = arith.subf %add3A_554, %mul3A_635 : vector<16xf32>
          %mul3A_685 = arith.mulf %sub3A_684, %mul3A_669 : vector<16xf32>
          %mul3A_686 = arith.mulf %mul3A_685, %get3A_5 : vector<16xf32>
          %add3A_687 = arith.addf %mul3A_686, %get3A_13 : vector<16xf32>
          %swap3A_688 = arith.index_cast %add3A_542 : i32 to index
          %swap3A_689 = arith.constant 32 : index
          %swap3A_690 = tpu.vector_load %arg9[%swap3A_688, %swap3A_689] {strides = array<i32>} : memref<800x64xf32, #tpu.memory_space<vmem>>, vector<16xf32>,
          tpu.vector_store %arg9[%swap3A_688, %swap3A_689], %add3A_687 {strides = array<i32>} : memref<800x64xf32, #tpu.memory_space<vmem>>, vector<16xf32>,
          %sub3A_691 = arith.subf %add3A_558, %mul3A_635 : vector<16xf32>
          %mul3A_692 = arith.mulf %sub3A_691, %mul3A_669 : vector<16xf32>
          %mul3A_693 = arith.mulf %mul3A_692, %get3A_7 : vector<16xf32>
          %add3A_694 = arith.addf %mul3A_693, %get3A_15 : vector<16xf32>
          %swap3A_695 = arith.index_cast %add3A_542 : i32 to index
          %swap3A_696 = arith.constant 48 : index
          %swap3A_697 = tpu.vector_load %arg9[%swap3A_695, %swap3A_696] {strides = array<i32>} : memref<800x64xf32, #tpu.memory_space<vmem>>, vector<16xf32>,
          tpu.vector_store %arg9[%swap3A_695, %swap3A_696], %add3A_694 {strides = array<i32>} : memref<800x64xf32, #tpu.memory_space<vmem>>, vector<16xf32>,
          %scan3A_698 = arith.constant 0 : i32
          scf.yield %scan3A_698 : i32
        }
        %scan3A_61 = arith.constant 16 : i32
        %scan3A_62 = arith.constant 0 : i32
        scf.yield %scan3A_62 : i32
      }
      %scan3A_39 = arith.constant 50 : i32
      "tpu.region"() ({
        %run_scoped3A = tpu.sem_alloc : memref<!tpu.dma_semaphore, #tpu.memory_space<semaphore_mem>>
        %dma_start3A_41 = arith.constant 0 : i32
        %dma_start3A_42 = tpu.memref_slice %arg7[%multiple_of3A, %dma_start3A_41] : memref<204800x64xf32, #tpu.memory_space<hbm>> -> memref<800x64xf32, #tpu.memory_space<hbm>>
        %dma_start3A_43 = arith.constant 0 : i32
        %dma_start3A_44 = tpu.memref_slice %arg7[%multiple_of3A, %dma_start3A_43] : memref<204800x64xf32, #tpu.memory_space<hbm>> -> memref<800x64xf32, #tpu.memory_space<hbm>>
        tpu.enqueue_dma source(%arg9 : memref<800x64xf32, #tpu.memory_space<vmem>>) target(%dma_start3A_44 : memref<800x64xf32, #tpu.memory_space<hbm>>) target_semaphore(%run_scoped3A : memref<!tpu.dma_semaphore, #tpu.memory_space<semaphore_mem>>)
        %dma_wait3A_45 = arith.constant 0 : i32
        %dma_wait3A_46 = tpu.memref_slice %arg7[%multiple_of3A, %dma_wait3A_45] : memref<204800x64xf32, #tpu.memory_space<hbm>> -> memref<800x64xf32, #tpu.memory_space<hbm>>
        %dma_wait3A_47 = arith.constant 0 : i32
        %dma_wait3A_48 = tpu.memref_slice %arg7[%multiple_of3A, %dma_wait3A_47] : memref<204800x64xf32, #tpu.memory_space<hbm>> -> memref<800x64xf32, #tpu.memory_space<hbm>>
        tpu.wait_dma2 semaphore(%run_scoped3A : memref<!tpu.dma_semaphore, #tpu.memory_space<semaphore_mem>>) src(%arg9 : memref<800x64xf32, #tpu.memory_space<vmem>>) dst(%dma_wait3A_48 : memref<800x64xf32, #tpu.memory_space<hbm>>)
        tpu.yield
      }) : () -> ()
      %scan3A_40 = arith.constant 0 : i32
      scf.yield %scan3A_40 : i32
    }
    %scan3A_21 = arith.constant 8 : i32
    return
  }
}

</mosaic_0001>

<sc_bundles>
// kernel: kernel.3.cloned.1.call-start
scs
__scs_entry_jumppad:
0x0: {  	(pc) =	sbr.rel $0x88, $3  }
0x1: {  	(tag) =	ssettag $0x0;
	lr =	simm.s32 $0x1  }
0x2: {  	[smem:$0x3F9C] =	sst lr;
	_ =	strace $0xD0000000  }
0x3: {  	_ = 	snop  }
0x4: {  	_ = 	snop  }
0x5: {  	_ = 	snop  }
0x6: {  	_ = 	snop  }
0x7: {  	_ = 	snop  }
__scs_overlays_trampoline_lowered:
0x8: {  	[smem:$0x3FAB] =	sst s0  }
0x9: {  	[smem:$0x3FAC] =	sst s1  }
0xa: {  	[smem:$0x3FAD] =	sst s2  }
0xb: {  	[smem:$0x3FAE] =	sst s3  }
0xc: {  	[smem:$0x3FAF] =	sst s4  }
0xd: {  	[smem:$0x3FB0] =	sst s5  }
0xe: {  	[smem:$0x3FB1] =	sst s6  }
0xf: {  	[smem:$0x3FB2] =	sst s7  }
0x10: {  	[smem:$0x3FB3] =	sst s8  }
0x11: {  	[smem:$0x3FB4] =	sst s9;
	s0 =	simm.s32 @!p0 $0x0  }
0x12: {  	s1 =	sld [smem:$0x3F9A];
	s0 =	simm.s32 @p0 $0x1  }
0x13: {  	[smem:$0x3FB5] =	sst s0;
	s0 =	simm.s32 @!p1 $0x0  }
0x14: {  	s2 =	sld [smem:$0x3F99];
	s0 =	simm.s32 @p1 $0x1  }
0x15: {  	[smem:$0x3FB6] =	sst s0;
	s0 =	simm.s32 @!p2 $0x0  }
0x16: {  	s3 =	sld [smem:$0x3FDB];
	s0 =	simm.s32 @p2 $0x1  }
0x17: {  	s4 =	simm.s32 $0x1BF5;
	[smem:$0x3FB8] =	sst s0  }
0x18: {  	s0 =	sld [smem:$0x3F9B];
	_ =	swait.ge [sflag:s4], $0x0  }
0x19: {  	s7 =	sld [smem:$0x3F9C]  }
0x1a: {  	s8 =	sadd.s32 $0xFFFFE003, lr  }
0x1b: {  	s9 =	sadd.s32 $0xFFFFFEF7, lr;
	s5 =	simm.s32 $0xFFFFFFFF;
	p2 =	slt.u32 s8, $0xFFFFF086  }
0x1c: {  	p1 =	slt.u32 s9, $0xF7A;
	s5 =	simm.s32 @!p2 $0x0  }
0x1d: {  	s5 =	simm.s32 @p1 $0x1;
	p0 =	seq.s32 s7, s2  }
0x1e: {  	s7 =	smul.u32 @!p0 $0xF7A, s2;
	p2 =	seq.s32 @!p0 s5, $0x0  }
0x1f: {  	s9 =	smul.u32 $0xF7A, s1;
	s8 =	simm.s32 @!p0 $0x1BF5;
	p2 =	por !p2, p0  }
0x20: {  	[sflag:s8] =	ssyncset.s32 @!p0 $0xFFFFF086;
	s6 =	sadd.s32 @!p0 s3, s7;
	s7 =	simm.s32 @!p0 $0x108  }
0x21: {  	s3 =	sadd.s32 s3, s9;
	s6 =	sadd.s32 @!p0 $0x88, s6;
	s7 =	simm.s32 @p2 $0x1082  }
0x22: {  	[simem:s7], [sflag:s8] =	dma.local @!p0 [hbm:s6], $0xF7A  }
0x23: {  	s9 =	sor.u32 $0xD0000000, s2;
	s6 =	simm.s32 $0x108;
	_ =	swait.ge @!p0 [sflag:s8], $0x0  }
0x24: {  	s3 =	sadd.s32 $0x88, s3;
	s6 =	simm.s32 @!p1 $0x1082;
	[sflag:s4] =	ssyncset.s32 $0xFFFFF086  }
0x25: {  	[simem:s6], [sflag:s4] =	dma.local [hbm:s3], $0xF7A  }
0x26: {  	[smem:$0x3F9C] =	sst s1;
	(tag) =	ssettag s2;
	_ =	strace s9  }
0x27: {  	s1 =	sld [smem:$0x3FAC]  }
0x28: {  	s2 =	sld [smem:$0x3FAD]  }
0x29: {  	s4 =	sld [smem:$0x3FAF]  }
0x2a: {  	p0 =	seq.s32 s5, $0x0;
	s5 =	sld [smem:$0x3FB0]  }
0x2b: {  	s6 =	sld [smem:$0x3FB1]  }
0x2c: {  	s7 =	sld [smem:$0x3FB2]  }
0x2d: {  	s3 =	simm.s32 $0x108;
	s8 =	sld [smem:$0x3FB3]  }
0x2e: {  	s3 =	simm.s32 @!p0 $0x1082;
	s9 =	sld [smem:$0x3FB4]  }
0x2f: {  	lr =	sadd.s32 s0, s3;
	s0 =	sld [smem:$0x3FAB]  }
0x30: {  	s3 =	sld [smem:$0x3FAE]  }
0x31: {  	[smem:$0x3FB7] =	sst s10  }
0x32: {  	s10 =	sld [smem:$0x3FB5];
	_ =	sdelay $0x3  }
0x33: {  	p0 =	seq.s32 s10, $0x1;
	s10 =	sld [smem:$0x3FB7];
	_ =	sdelay $0x3  }
0x34: {  	[smem:$0x3FB7] =	sst s10  }
0x35: {  	s10 =	sld [smem:$0x3FB6];
	_ =	sdelay $0x3  }
0x36: {  	p1 =	seq.s32 s10, $0x1;
	s10 =	sld [smem:$0x3FB7];
	_ =	sdelay $0x3  }
0x37: {  	[smem:$0x3FB7] =	sst s10  }
0x38: {  	s10 =	sld [smem:$0x3FB8]  }
0x39: {  	_ = 	snop;
	(pc) =	sbr.ind lr, $3  }
0x3a: {  	_ = 	snop  }
0x3b: {  	_ = 	snop  }
0x3c: {  	p2 =	seq.s32 s10, $0x1;
	s10 =	sld [smem:$0x3FB7]  }
0x3d: {  	_ =	shalt  }
0x3e: {  	_ =	shalt  }
0x3f: {  	_ =	shalt  }
0x40: {  	_ =	shalt  }
0x41: {  	_ =	shalt  }
0x42: {  	_ =	shalt  }
0x43: {  	_ =	shalt  }
0x44: {  	_ =	shalt  }
0x45: {  	_ =	shalt  }
0x46: {  	_ =	shalt  }
0x47: {  	_ =	shalt  }
0x48: {  	_ =	shalt  }
0x49: {  	_ =	shalt  }
0x4a: {  	_ =	shalt  }
0x4b: {  	_ =	shalt  }
0x4c: {  	_ =	shalt  }
0x4d: {  	_ =	shalt  }
0x4e: {  	_ =	shalt  }
0x4f: {  	_ =	shalt  }
0x50: {  	_ =	shalt  }
0x51: {  	_ =	shalt  }
0x52: {  	_ =	shalt  }
0x53: {  	_ =	shalt  }
0x54: {  	_ =	shalt  }
0x55: {  	_ =	shalt  }
0x56: {  	_ =	shalt  }
0x57: {  	_ =	shalt  }
0x58: {  	_ =	shalt  }
0x59: {  	_ =	shalt  }
0x5a: {  	_ =	shalt  }
0x5b: {  	_ =	shalt  }
0x5c: {  	_ =	shalt  }
0x5d: {  	_ =	shalt  }
0x5e: {  	_ =	shalt  }
0x5f: {  	_ =	shalt  }
0x60: {  	_ =	shalt  }
0x61: {  	_ =	shalt  }
0x62: {  	_ =	shalt  }
0x63: {  	_ =	shalt  }
0x64: {  	_ =	shalt  }
0x65: {  	_ =	shalt  }
0x66: {  	_ =	shalt  }
0x67: {  	_ =	shalt  }
0x68: {  	_ =	shalt  }
0x69: {  	_ =	shalt  }
0x6a: {  	_ =	shalt  }
0x6b: {  	_ =	shalt  }
0x6c: {  	_ =	shalt  }
0x6d: {  	_ =	shalt  }
0x6e: {  	_ =	shalt  }
0x6f: {  	_ =	shalt  }
0x70: {  	_ =	shalt  }
0x71: {  	_ =	shalt  }
0x72: {  	_ =	shalt  }
0x73: {  	_ =	shalt  }
0x74: {  	_ =	shalt  }
0x75: {  	_ =	shalt  }
0x76: {  	_ =	shalt  }
0x77: {  	_ =	shalt  }
0x78: {  	_ =	shalt  }
0x79: {  	_ =	shalt  }
0x7a: {  	_ =	shalt  }
0x7b: {  	_ =	shalt  }
0x7c: {  	_ =	shalt  }
0x7d: {  	_ =	shalt  }
0x7e: {  	_ =	shalt  }
0x7f: {  	_ =	shalt  }
0x80: {  	_ =	shalt  }
0x81: {  	_ =	shalt  }
0x82: {  	_ =	shalt  }
0x83: {  	_ =	shalt  }
0x84: {  	_ =	shalt  }
0x85: {  	_ =	shalt  }
0x86: {  	_ =	shalt  }
0x87: {  	_ =	shalt  }
.Lfunc_end0:
.L_simem_size_0:
called_computation.1_lowered:
.L_overlay_start_0:
0x88: {  	s2 =	sld [smem:$0x3FD9]  }
0x89: {  	s3 =	sld [smem:$0x3FFE];
	_ =	sdelay $0x1  }
0x8a: {  	s1 =	srdreg.scid  }
0x8b: {  	s0 =	sand.u32 $0x1, s1  }
0x8c: {  	s17 =	sshll.u32 s0, $0xA;
	s2 =	sadd.s32 s3, s2  }
0x8d: {  	s2 =	sadd.s32 s2, s17  }
0x8e: {  	[smem:$0x3FC3] =	sst s2  }
0x8f: {  	_ = 	snop  }
0x90: {  	s2 =	sld [smem:$0x3FC6]  }
0x91: {  	s18 =	sld [smem:$0x3FC5]  }
0x92: {  	s4 =	sld [smem:$0x3FD0];
	(tm) =	ssettm $0x1  }
0x93: {  	s5 =	sld [smem:$0x3FFB];
	_ =	sdelay $0x3  }
0x94: {  	_ =	strace s5  }
0x95: {  	s5 =	sld [smem:$0x3FFC];
	_ =	sdelay $0x3  }
0x96: {  	_ =	strace s5  }
0x97: {  	s5 =	sld [smem:$0x3FFD];
	_ =	sdelay $0x3  }
0x98: {  	_ =	strace s5  }
0x99: {  	_ =	strace $0x8FFFFFFF  }
0x9a: {  	s19 =	sld [smem:$0x3FDB];
	_ =	sdelay $0x1  }
0x9b: {  	s6 =	simm.s32 $_scs_section_size  }
0x9c: {  	s7 =	simm.s32 $_size__tile_overlayer_lowered;
	s8 =	simm.s32 $_tile_overlayer_lowered  }
0x9d: {  	s22 =	simm.s32 $0x1BFF;
	s21 =	sshll.u32 s8, $0x1;
	s5 =	sadd.s32 s6, s19  }
0x9e: {  	s9 =	simm.s32 $0x0;
	s20 =	sshll.u32 s7, $0x1;
	s7 =	sadd.s32 s21, s5  }
0x9f: {  	[timem:s9], [sflag:s22] =	dma.local [hbm:s7], s20  }
0xa0: {  	_ =	swait.ge [sflag:s22], s20  }
0xa1: {  	s6 =	ssub.s32 $0x0, s20;
	[sflag:s22] =	ssyncset.done $0x0  }
0xa2: {  	[sflag:s22] =	ssyncadd.s32 s6;
	_ =	sdelay $0x1  }
0xa3: {  	s23 =	simm.s32 $0x1B8B  }
0xa4: {  	_ =	swait.ge [sflag:s23], $0x1  }
0xa5: {  	[sflag:s23] =	ssyncset.done $0x0  }
0xa6: {  	s25 =	simm.s32 $0x1B8E;
	s24 =	sld [smem:$0x3FFE];
	[sflag:s23] =	ssyncadd.s32 $0xFFFFFFFF  }
0xa7: {  	s26 =	simm.s32 $execute0_lowered;
	[smem:$0x3FD2] =	sst s25  }
0xa8: {  	s7 =	sshll.u32 s26, $0x1;
	_ =	strace $0x80000046;
	[dreg:$0x1] =	wrdreg $0xFFFFFFFF  }
0xa9: {  	s28 =	simm.s32 $_size_execute0_lowered;
	s5 =	sadd.s32 s5, s7;
	[dreg:$0x0] =	wrdreg $0x0  }
0xaa: {  	s7 =	sshll.u32 s28, $0x1;
	[dreg:$0x2] =	wrdreg s5  }
0xab: {  	[dreg:$0x3] =	wrdreg s7  }
0xac: {  	[dreg:$0x4] =	wrdreg $0xC0  }
0xad: {  	_ =	task [dreg:s9], $0x5FFFF  }
0xae: {  	[dreg:$0x1] =	wrdreg $0xFFFFFFFF  }
0xaf: {  	[dreg:$0x0] =	wrdreg $0x60  }
0xb0: {  	[dreg:$0x2] =	wrdreg s24  }
0xb1: {  	[dreg:$0x3] =	wrdreg s2  }
0xb2: {  	[dreg:$0x4] =	wrdreg s18  }
0xb3: {  	[dreg:$0x5] =	wrdreg s4  }
0xb4: {  	[dreg:$0x6] =	wrdreg $0x9  }
0xb5: {  	_ =	task.clear_ibuf [dreg:s9], $0x7FFFF;
	_ =	strace $0x90000046  }
0xb6: {  	s29 =	simm.s32 $0x9;
	_ =	strace $0x80000048  }
0xb7: {  	_ =	swait.ge [sflag:s29], $0x1  }
0xb8: {  	[sflag:s29] =	ssyncadd.s32 $0xFFFFFFFF  }
0xb9: {  	_ =	strace $0x90000048  }
0xba: {  	_ =	sfence  }
0xbb: {  	s30 =	sld [smem:$0x0];
	_ =	sdelay $0x2  }
0xbc: {  	s31 =	sshll.u32 s1, $0xD;
	s1 =	sshrl.u32 s1, $0x2  }
0xbd: {  	s3 =	sand.u32 $0x4000, s31;
	s1 =	sadd.s32 s1, s30  }
0xbe: {  	s0 =	sor.u32 s3, s0;
	s1 =	sshll.u32 s1, $0x11  }
0xbf: {  	s0 =	sor.u32 s1, s0  }
0xc0: {  	s0 =	sadd.s32 $0x8F2B, s0  }
0xc1: {  	[sflag:s0] =	ssyncadd.remote.s32 $0x1  }
0xc2: {  	_ =	sfence.sel $0xFFFF  }
0xc3: {  	[dreg:$0x0] =	wrdreg $0xFFFFFFFF;
	(pc) =	sbr.abs _section_cstart, $3  }
0xc4: {  	[dreg:$0x1] =	wrdreg $0xFFFFFFFF  }
0xc5: {  	_ =	task.clear_ibuf [dreg:s9], $0x2FFFF;
	_ =	strace $0x9FFFFFFF  }
0xc6: {  	(tm) =	ssettm $0x7FFFFFFF  }
0xc7: {  	_ =	shalt  }
tec
execute0_lowered:
.L_overlay_start_1:
0x0: {  	(tag) =	ssettag $0x1  }
0x1: {  	v0 =	vimm.s32 $0xFEDCBA98;
	s7 =	rddreg [dreg:$0x0];
	v1 =	vimm.s32 $0x76543210  }
0x2: {  	s0 =	rddreg [dreg:$0x1];
	v2 =	vimm.s32 $0xBA98FEDC;
	v3 =	vimm.s32 $0x32107654;
	v4 =	vimm.s32 $0xDCFE98BA  }
0x3: {  	s1 =	rddreg [dreg:$0x2];
	v5 =	vimm.s32 $0x54761032;
	v6 =	vimm.s32 $0xEFCDAB89;
	v7 =	vimm.s32 $0x67452301  }
0x4: {  	s2 =	rddreg [dreg:$0x3];
	v0 =	vunpack.c.l.s4.s8 v0;
	v1 =	vunpack.c.l.s4.s8 v1;
	v2 =	vunpack.c.l.s4.s8 v2  }
0x5: {  	s3 =	simm.s32 $0x0;
	s4 =	rddreg [dreg:$0x4];
	s5 =	srdreg.scid;
	v3 =	vunpack.c.l.s4.s8 v3;
	v4 =	vunpack.c.l.s4.s8 v4;
	v5 =	vunpack.c.l.s4.s8 v5  }
0x6: {  	s12 =	simm.s32 $0x2;
	s13 =	simm.s32 $0xD920;
	s14 =	simm.s32 $0xD960;
	v6 =	vunpack.c.l.s4.s8 v6;
	v7 =	vunpack.c.l.s4.s8 v7;
	v0 =	vunpack.c.0.s8.s32 v0  }
0x7: {  	s15 =	simm.s32 $0x320;
	s16 =	simm.s32 $0x1;
	s17 =	simm.s32 $0x0;
	v2 =	vunpack.c.0.s8.s32 v2;
	v3 =	vunpack.c.0.s8.s32 v3;
	v4 =	vunpack.c.0.s8.s32 v4  }
0x8: {  	[smem:$0x7FF] =	sst s3;
	s9 =	sand.u32 $0x1, s5;
	s5 =	sadd.s32 $0xC00, s7;
	v5 =	vunpack.c.0.s8.s32 v5;
	v6 =	vunpack.c.0.s8.s32 v6;
	v7 =	vunpack.c.0.s8.s32 v7  }
0x9: {  	s6 =	sadd.s32 $0xF43000, s7;
	s8 =	sadd.s32 $0x7000, s7;
	s10 =	ssub.s32 $0x2, s9;
	v1 =	vunpack.c.0.s8.s32 v1;
	v2 =	vcombine.low v3, v2  }
0xa: {  	s7 =	stileid.u32;
	_ =	strace $0x80000047;
	s11 =	sshrl.u32 s10, $0x1;
	v3 =	vcombine.low v5, v4;
	v4 =	vcombine.low v7, v6;
	v0 =	vand.u32 $0xF, v0  }
0xb: {  	s31 =	sshll.u32 s7, $0x4;
	s9 =	sshll.u32 s9, $0x3;
	s10 =	ssub.s32 s10, s11;
	v0 =	vcombine.low v0, v1  }
0xc: {  	s9 =	sor.u32 s9, s31;
	s11 =	simm.s32 $0xCB20;
	s10 =	smax.u32 s10, $0x1;
	v1 =	vand.u32 $0xF, v2;
	v2 =	vand.u32 $0xF, v3;
	v3 =	vand.u32 $0xF, v4  }
.LBB2_1:
0xd: {  	[tilespmem:s11], [sflag:$0x2] =	stream.linear.gather [hbm4b:s8+s3], $0xE00, $0x38;
	[tilespmem:$0xD9A0] =	vst v63  }
0xe: {  	_ =	swait.ge [sflag:s12], $0xE00  }
0xf: {  	[sflag:s12] =	ssyncset.done $0x0  }
0x10: {  	[sflag:s12] =	ssyncadd.s32 $0xFFFFF200  }
0x11: {  	[tilespmem:s13], [sflag:$0x2] =	stream.linear.gather [hbm4b:s0+s3], $0x40, $0x38;
	[tilespmem:$0xD9A0] =	vst v63  }
0x12: {  	_ =	swait.ge [sflag:s12], $0x40  }
0x13: {  	[sflag:s12] =	ssyncset.done $0x0  }
0x14: {  	[sflag:s12] =	ssyncadd.s32 $0xFFFFFFC0  }
0x15: {  	[tilespmem:s14], [sflag:$0x2] =	stream.linear.gather [hbm4b:s1+s3], $0x40, $0x38;
	[tilespmem:$0xD9A0] =	vst v63  }
0x16: {  	_ =	swait.ge [sflag:s12], $0x40  }
0x17: {  	[sflag:s12] =	ssyncset.done $0x0  }
0x18: {  	[sflag:s12] =	ssyncadd.s32 $0xFFFFFFC0  }
0x19: {  	v4 =	vld [tilespmem:$0xD920]  }
0x1a: {  	v5 =	vld [tilespmem:$0xD930]  }
0x1b: {  	v7 =	vld [tilespmem:$0xD950]  }
0x1c: {  	v8 =	vld [tilespmem:$0xD960]  }
0x1d: {  	v9 =	vld [tilespmem:$0xD970]  }
0x1e: {  	v11 =	vld [tilespmem:$0xD990]  }
0x1f: {  	v6 =	vld [tilespmem:$0xD940]  }
0x20: {  	s18 =	simm.s32 $0x0;
	v10 =	vld [tilespmem:$0xD980]  }
.LBB2_2:
0x21: {  	s19 =	sadd.s32 s9, s18  }
0x22: {  	s20 =	smul.u32 $0x64, s19;
	_ =	sdelay $0x1  }
0x23: {  	s21 =	sadd.s32 s5, s20;
	s20 =	simm.s32 $0x0  }
0x24: {  	[tilespmem:s20], [sflag:$0x2] =	stream.linear.gather [hbm4b:s21+s20], $0x320, $0x38;
	[tilespmem:$0xD9A0] =	vst v63  }
0x25: {  	_ =	swait.ge [sflag:s12], $0x320  }
0x26: {  	[sflag:s12] =	ssyncset.done $0x0  }
0x27: {  	[sflag:s12] =	ssyncadd.s32 $0xFFFFFCE0  }
0x28: {  	[tilespmem:s15], [sflag:$0x1] =	stream.indirect.gather [hbm4b:s6+s15], $0x40, s20, s15, $0xb8;
	[tilespmem:$0xD9A0] =	vst v63  }
0x29: {  	_ =	swait.ge [sflag:s16], $0xC800  }
0x2a: {  	[sflag:s16] =	ssyncset.done $0x0  }
0x2b: {  	s21 =	simm.s32 $0x1C20;
	[sflag:s16] =	ssyncadd.s32 $0xFFFF3800  }
.LBB2_3:
0x2c: {  	v16 =	vld [tilespmem:s21+$0x10]  }
0x2d: {  	v17 =	vld [tilespmem:s21+$0x20]  }
0x2e: {  	v18 =	vld [tilespmem:s21+$0x0]  }
0x2f: {  	v20 =	vld [tilespmem:s21+$0xFFFFF3A0]  }
0x30: {  	v19 =	vld [tilespmem:s21+$0xFFFFF380]  }
0x31: {  	v22 =	vld [tilespmem:s21+$0x30]  }
0x32: {  	s22 =	sshll.u32 s20, $0x6;
	v24 =	vld [tilespmem:s21+$0xFFFFE710]  }
0x33: {  	v25 =	vld [tilespmem:s21+$0xFFFFF390];
	s22 =	sand.u32 $0x3FFFFFC0, s22  }
0x34: {  	v12 =	vld [tilespmem:s22+$0xCB20]  }
0x35: {  	v13 =	vld [tilespmem:s22+$0xCB30]  }
0x36: {  	v14 =	vld [tilespmem:s22+$0xCB40]  }
0x37: {  	v15 =	vld [tilespmem:s22+$0xCB50]  }
0x38: {  	v26 =	vld [tilespmem:s21+$0xFFFFF3B0]  }
0x39: {  	v27 =	vld [tilespmem:s21+$0xC80]  }
0x3a: {  	v28 =	vld [tilespmem:s21+$0xFFFFE700];
	v23 =	vadd.f32 v19, v12  }
0x3b: {  	v19 =	vadd.f32 v17, v14;
	v17 =	vadd.f32 v18, v12  }
0x3c: {  	v21 =	vadd.f32 v16, v13;
	v18 =	vadd.f32 v22, v15  }
0x3d: {  	v24 =	vadd.f32 v24, v13;
	v22 =	vadd.f32 v25, v13  }
0x3e: {  	v33 =	vadd.f32 v20, v14;
	v25 =	vadd.f32 v26, v15  }
0x3f: {  	v27 =	vadd.f32 v27, v12;
	v28 =	vadd.f32 v28, v12;
	v29 =	vmul.f32 v19, v19  }
0x40: {  	v37 =	vld [tilespmem:s21+$0xC90];
	v31 =	vmul.f32 v21, v21;
	v34 =	vadd.f32 v18, v19;
	v35 =	vmul.f32 v18, v18  }
0x41: {  	v26 =	vmul.f32 v17, v17;
	v36 =	vadd.f32 v22, v23;
	v38 =	vmul.f32 v24, v24  }
0x42: {  	v30 =	vld [tilespmem:s21+$0xFFFFE730];
	v39 =	vadd.f32 v21, v17;
	v40 =	vmul.f32 v33, v33;
	v62 =	vmul.f32 v22, v22  }
0x43: {  	v16 =	vld [tilespmem:s21+$0xFFFFE720];
	v63 =	vadd.f32 v24, v28;
	v41 =	vadd.f32 v25, v33;
	v42 =	vmul.f32 v23, v23  }
0x44: {  	v32 =	vld [tilespmem:s21+$0xCA0];
	v44 =	vmul.f32 v28, v28;
	v29 =	vadd.f32 v35, v29;
	v31 =	vadd.f32 v31, v26  }
0x45: {  	v50 =	vmul.f32 v25, v25;
	v26 =	vadd.f32 v37, v13;
	v34 =	vadd.f32 v34, v39  }
0x46: {  	v35 =	vadd.f32 v62, v42;
	v38 =	vadd.f32 v38, v44  }
0x47: {  	v40 =	vadd.f32 v50, v40;
	v36 =	vadd.f32 v41, v36  }
0x48: {  	v55 =	vmul.f32 v27, v27;
	v20 =	vadd.f32 v16, v14;
	v16 =	vadd.f32 v30, v15  }
0x49: {  	v30 =	vadd.f32 v32, v14;
	v31 =	vadd.f32 v29, v31;
	v51 =	vperm.xlane v34, v0  }
0x4a: {  	v49 =	vld [tilespmem:s21+$0xCB0];
	v35 =	vadd.f32 v40, v35;
	v43 =	vmul.f32 v20, v20;
	v48 =	vmul.f32 v16, v16  }
0x4b: {  	v58 =	vmul.f32 v26, v26;
	v56 =	vadd.f32 v16, v20;
	v34 =	vadd.f32 v34, v51  }
0x4c: {  	v54 =	vperm.xlane v31, v0;
	v60 =	vperm.xlane v35, v0;
	v29 =	vadd.f32 v48, v43  }
0x4d: {  	v52 =	vmul.f32 v30, v30;
	v43 =	vadd.f32 v26, v27;
	v32 =	vadd.f32 v56, v63  }
0x4e: {  	v63 =	vperm.xlane v36, v0;
	v31 =	vadd.f32 v54, v31;
	v35 =	vadd.f32 v60, v35  }
0x4f: {  	v57 =	vperm.xlane v34, v1;
	v53 =	vadd.f32 v29, v38;
	v29 =	vadd.f32 v49, v15  }
0x50: {  	v38 =	vadd.f32 v58, v55;
	v36 =	vadd.f32 v36, v63;
	v51 =	vperm.xlane v32, v0  }
0x51: {  	v34 =	vadd.f32 v34, v57;
	v61 =	vperm.xlane v31, v1;
	v50 =	vperm.xlane v35, v1  }
0x52: {  	v59 =	vmul.f32 v29, v29;
	v48 =	vperm.xlane v53, v0;
	v32 =	vadd.f32 v32, v51  }
0x53: {  	v42 =	vperm.xlane v36, v1;
	v56 =	vadd.f32 v29, v30;
	v31 =	vadd.f32 v61, v31  }
0x54: {  	v49 =	vperm.xlane v34, v2;
	v35 =	vadd.f32 v50, v35;
	v62 =	vadd.f32 v59, v52  }
0x55: {  	v37 =	vadd.f32 v48, v53;
	v36 =	vadd.f32 v36, v42;
	v45 =	vperm.xlane v32, v1  }
0x56: {  	v42 =	vadd.f32 v56, v43;
	v34 =	vadd.f32 v34, v49;
	v52 =	vperm.xlane v31, v2  }
0x57: {  	v55 =	vperm.xlane v35, v2;
	v38 =	vadd.f32 v62, v38;
	v54 =	vperm.xlane v37, v1  }
0x58: {  	v46 =	vperm.xlane v36, v2;
	v32 =	vadd.f32 v32, v45;
	v63 =	vperm.xlane v42, v0  }
0x59: {  	v31 =	vadd.f32 v52, v31;
	v57 =	vperm.xlane v34, v3;
	v35 =	vadd.f32 v55, v35  }
0x5a: {  	v53 =	vperm.xlane v38, v0;
	v37 =	vadd.f32 v54, v37;
	v36 =	vadd.f32 v36, v46  }
0x5b: {  	v61 =	vperm.xlane v32, v2;
	v42 =	vadd.f32 v42, v63;
	v58 =	vperm.xlane v31, v3  }
0x5c: {  	v34 =	vadd.f32 v34, v57;
	v60 =	vperm.xlane v35, v3;
	v59 =	vperm.xlane v37, v2  }
0x5d: {  	v38 =	vadd.f32 v53, v38;
	v32 =	vadd.f32 v32, v61;
	v48 =	vperm.xlane v36, v3  }
0x5e: {  	v51 =	vperm.xlane v42, v1;
	v31 =	vadd.f32 v58, v31;
	v34 =	vmul.f32 $1.562500000e-02, v34  }
0x5f: {  	v35 =	vadd.f32 v60, v35;
	v37 =	vadd.f32 v59, v37;
	v50 =	vperm.xlane v32, v3  }
0x60: {  	v36 =	vadd.f32 v36, v48;
	v52 =	vperm.xlane v38, v1;
	v31 =	vmul.f32 $1.562500000e-02, v31  }
0x61: {  	v53 =	vadd.f32 v42, v51;
	v62 =	vmul.f32 v34, v34;
	v35 =	vmul.f32 $1.562500000e-02, v35  }
0x62: {  	v19 =	vsub.f32 v19, v34;
	v18 =	vsub.f32 v18, v34;
	v49 =	vperm.xlane v37, v3  }
0x63: {  	v36 =	vmul.f32 $1.562500000e-02, v36;
	v32 =	vadd.f32 v32, v50;
	v38 =	vadd.f32 v52, v38  }
0x64: {  	v56 =	vperm.xlane v53, v2;
	v31 =	vsub.f32 v31, v62;
	v37 =	vadd.f32 v49, v37  }
0x65: {  	v55 =	vmul.f32 v36, v36;
	v32 =	vmul.f32 $1.562500000e-02, v32;
	v33 =	vsub.f32 v33, v36  }
0x66: {  	v57 =	vperm.xlane v38, v2;
	v39 =	vadd.f32 v53, v56;
	v50 =	vsub.f32 v23, v36  }
0x67: {  	v31 =	vadd.f32 $9.999999740e-06, v31;
	v35 =	vsub.f32 v35, v55  }
0x68: {  	v37 =	vmul.f32 $1.562500000e-02, v37;
	v58 =	vmul.f32 v32, v32;
	v38 =	vadd.f32 v57, v38  }
0x69: {  	v60 =	vperm.xlane v39, v3;
	v54 =	vmul.f32 $5.000000000e-01, v31;
	v31 =	vshrl.u32 v31, $0x1  }
0x6a: {  	v31 =	vsub.s32 $0x5F3759DF, v31;
	v35 =	vadd.f32 $9.999999740e-06, v35;
	v37 =	vsub.f32 v37, v58  }
0x6b: {  	v62 =	vperm.xlane v38, v3;
	v39 =	vadd.f32 v39, v60;
	v59 =	vmul.f32 v31, v54  }
0x6c: {  	v61 =	vshrl.u32 v35, $0x1;
	v35 =	vmul.f32 $5.000000000e-01, v35;
	v37 =	vadd.f32 $9.999999740e-06, v37  }
0x6d: {  	v38 =	vadd.f32 v62, v38;
	v43 =	vsub.s32 $0x5F3759DF, v61;
	v41 =	vmul.f32 v31, v59  }
0x6e: {  	v39 =	vmul.f32 $1.562500000e-02, v39;
	v63 =	vmul.f32 v43, v35;
	v48 =	vshrl.u32 v37, $0x1  }
0x6f: {  	v37 =	vmul.f32 $5.000000000e-01, v37;
	v38 =	vmul.f32 $1.562500000e-02, v38;
	v41 =	vsub.f32 $1.500000000e+00, v41  }
0x70: {  	v49 =	vmul.f32 v39, v39;
	v44 =	vsub.s32 $0x5F3759DF, v48;
	v42 =	vmul.f32 v43, v63  }
0x71: {  	v47 =	vsub.f32 v24, v32;
	v23 =	vmul.f32 v44, v37;
	v31 =	vmul.f32 v31, v41  }
0x72: {  	v24 =	vsub.f32 v38, v49;
	v42 =	vsub.f32 $1.500000000e+00, v42  }
0x73: {  	v51 =	vmul.f32 v44, v23;
	v23 =	vsub.f32 v27, v39;
	v27 =	vmul.f32 v31, v54  }
0x74: {  	v55 =	vsub.f32 v21, v34;
	v53 =	vadd.f32 $9.999999740e-06, v24;
	v52 =	vmul.f32 v43, v42  }
0x75: {  	v24 =	vsub.f32 v30, v39;
	v30 =	vsub.f32 $1.500000000e+00, v51;
	v27 =	vmul.f32 v27, v31  }
0x76: {  	v54 =	vshrl.u32 v53, $0x1;
	v40 =	vmul.f32 $5.000000000e-01, v53;
	v35 =	vmul.f32 v52, v35  }
0x77: {  	v38 =	vsub.s32 $0x5F3759DF, v54;
	v30 =	vmul.f32 v44, v30;
	v21 =	vsub.f32 $1.500000000e+00, v27  }
0x78: {  	v25 =	vsub.f32 v25, v36;
	v27 =	vmul.f32 v38, v40;
	v35 =	vmul.f32 v35, v52  }
0x79: {  	v36 =	vsub.f32 v22, v36;
	v56 =	vmul.f32 v30, v37;
	v31 =	vmul.f32 v21, v31  }
0x7a: {  	v34 =	vsub.f32 v17, v34;
	v27 =	vmul.f32 v38, v27;
	v21 =	vsub.f32 v26, v39  }
0x7b: {  	v22 =	vsub.f32 $1.500000000e+00, v35;
	v26 =	vmul.f32 v56, v30;
	v57 =	vmul.f32 v31, v55  }
0x7c: {  	v17 =	vsub.f32 v29, v39;
	v58 =	vmul.f32 v31, v19;
	v29 =	vmul.f32 v31, v18  }
0x7d: {  	v31 =	vmul.f32 v31, v34;
	v22 =	vmul.f32 v22, v52  }
0x7e: {  	v28 =	vsub.f32 v28, v32;
	v19 =	vsub.f32 $1.500000000e+00, v26;
	v59 =	vmul.f32 v57, v5  }
0x7f: {  	v27 =	vsub.f32 $1.500000000e+00, v27;
	v31 =	vmul.f32 v31, v4;
	v26 =	vmul.f32 v22, v33  }
0x80: {  	v20 =	vsub.f32 v20, v32;
	v18 =	vmul.f32 v19, v30;
	v30 =	vmul.f32 v22, v50  }
0x81: {  	v19 =	vmul.f32 v38, v27;
	v27 =	vmul.f32 v58, v6;
	v33 =	vadd.f32 v59, v9  }
0x82: {  	v29 =	vmul.f32 v29, v7;
	v63 =	vadd.f32 v31, v8;
	v26 =	vmul.f32 v26, v6  }
0x83: {  	v62 =	vmul.f32 v22, v36;
	v60 =	vmul.f32 v30, v4;
	v27 =	vadd.f32 v27, v10;
	[tilespmem:s21+$0x10] =	vst v33  }
0x84: {  	v30 =	vmul.f32 v19, v40;
	v61 =	vmul.f32 v18, v47;
	[tilespmem:s21+$0x0] =	vst v63;
	v26 =	vadd.f32 v26, v10  }
0x85: {  	v16 =	vsub.f32 v16, v32;
	v28 =	vmul.f32 v18, v28;
	v31 =	vmul.f32 v62, v5;
	[tilespmem:s21+$0x20] =	vst v27  }
0x86: {  	s23 =	simm.s32 $0x0;
	s24 =	sadd.s32 $0x3200, s21;
	s22 =	smov.u32 s21;
	v30 =	vmul.f32 v30, v19;
	v27 =	vadd.f32 v60, v8;
	[tilespmem:s21+$0xFFFFF3A0] =	vst v26;
	v26 =	vmul.f32 v61, v5  }
.LBB2_4:
0x87: {  	s23 =	sadd.s32 $0x4, s23;
	v28 =	vmul.f32 v28, v4;
	v22 =	vmul.f32 v22, v25  }
0x88: {  	v20 =	vmul.f32 v18, v20;
	v30 =	vsub.f32 $1.500000000e+00, v30;
	v25 =	vld [tilespmem:s24+$0x10];
	p0 =	slt.u32 s23, $0xC;
	[tilespmem:s22+$0xFFFFF380] =	vst v27;
	v27 =	vadd.f32 v31, v9  }
0x89: {  	v29 =	vadd.f32 v29, v11;
	v31 =	vld [tilespmem:s24+$0x20];
	v28 =	vadd.f32 v28, v8;
	v22 =	vmul.f32 v22, v7  }
0x8a: {  	v20 =	vmul.f32 v20, v6;
	v19 =	vmul.f32 v30, v19;
	v32 =	vld [tilespmem:s24+$0x0];
	[tilespmem:s22+$0xFFFFF390] =	vst v27  }
0x8b: {  	v26 =	vadd.f32 v26, v9;
	v16 =	vmul.f32 v18, v16;
	v27 =	vld [tilespmem:s24+$0xFFFFF3A0];
	v18 =	vadd.f32 v22, v11;
	[tilespmem:s22+$0x30] =	vst v29  }
0x8c: {  	v20 =	vadd.f32 v20, v10;
	v23 =	vmul.f32 v19, v23;
	v24 =	vmul.f32 v19, v24;
	v22 =	vld [tilespmem:s24+$0x30];
	[tilespmem:s22+$0xFFFFE700] =	vst v28  }
0x8d: {  	v21 =	vmul.f32 v19, v21;
	v17 =	vmul.f32 v19, v17;
	v28 =	vld [tilespmem:s24+$0xFFFFF380];
	[tilespmem:s22+$0xFFFFE710] =	vst v26  }
0x8e: {  	v19 =	vld [tilespmem:s24+$0xFFFFE710];
	[tilespmem:s22+$0xFFFFF3B0] =	vst v18;
	v18 =	vmul.f32 v23, v4;
	v23 =	vmul.f32 v24, v6  }
0x8f: {  	v17 =	vmul.f32 v17, v7;
	[tilespmem:s22+$0xFFFFE720] =	vst v20;
	v20 =	vmul.f32 v21, v5  }
0x90: {  	v21 =	vmul.f32 v16, v7;
	v16 =	vadd.f32 v18, v8;
	v18 =	vadd.f32 v23, v10  }
0x91: {  	v29 =	vadd.f32 v17, v11;
	v26 =	vld [tilespmem:s24+$0xFFFFF390];
	v20 =	vadd.f32 v20, v9  }
0x92: {  	v17 =	vadd.f32 v31, v14;
	v23 =	vadd.f32 v28, v12;
	v28 =	vld [tilespmem:s24+$0xFFFFF3B0];
	[tilespmem:s22+$0xC80] =	vst v16  }
0x93: {  	v31 =	vadd.f32 v21, v11;
	v16 =	vadd.f32 v32, v12;
	v30 =	vld [tilespmem:s24+$0xC80];
	[tilespmem:s22+$0xCA0] =	vst v18  }
0x94: {  	v21 =	vadd.f32 v25, v13;
	v24 =	vadd.f32 v19, v13;
	v32 =	vld [tilespmem:s24+$0xFFFFE700];
	[tilespmem:s22+$0xC90] =	vst v20  }
0x95: {  	v33 =	vmul.f32 v17, v17;
	v18 =	vadd.f32 v22, v15;
	v19 =	vld [tilespmem:s24+$0xFFFFE720];
	[tilespmem:s22+$0xCB0] =	vst v29  }
0x96: {  	v22 =	vadd.f32 v26, v13;
	v26 =	vmul.f32 v21, v21;
	v29 =	vld [tilespmem:s24+$0xCA0];
	[tilespmem:s22+$0xFFFFE730] =	vst v31;
	s22 =	smov.u32 s24  }
0x97: {  	v35 =	vadd.f32 v18, v17;
	v36 =	vmul.f32 v18, v18;
	v31 =	vadd.f32 v27, v14;
	v34 =	vld [tilespmem:s24+$0xFFFFE730]  }
0x98: {  	v37 =	vmul.f32 v16, v16;
	v25 =	vadd.f32 v28, v15;
	v27 =	vadd.f32 v30, v12  }
0x99: {  	v30 =	vmul.f32 v24, v24;
	v28 =	vadd.f32 v32, v12;
	v32 =	vadd.f32 v22, v23;
	v38 =	vld [tilespmem:s24+$0xC90]  }
0x9a: {  	v41 =	vadd.f32 v21, v16;
	v39 =	vmul.f32 v31, v31;
	v40 =	vmul.f32 v25, v25  }
0x9b: {  	v33 =	vadd.f32 v36, v33;
	v42 =	vmul.f32 v22, v22;
	v20 =	vadd.f32 v19, v14  }
0x9c: {  	v29 =	vadd.f32 v29, v14;
	v19 =	vadd.f32 v34, v15  }
0x9d: {  	v43 =	vmul.f32 v23, v23;
	v36 =	vadd.f32 v25, v31;
	v34 =	vadd.f32 v24, v28  }
0x9e: {  	v37 =	vadd.f32 v26, v37;
	v44 =	vmul.f32 v20, v20;
	v26 =	vadd.f32 v38, v13  }
0x9f: {  	v35 =	vadd.f32 v35, v41;
	v38 =	vmul.f32 v28, v28;
	v45 =	vmul.f32 v19, v19;
	v41 =	vld [tilespmem:s24+$0xCB0]  }
0xa0: {  	v42 =	vadd.f32 v42, v43;
	v33 =	vadd.f32 v33, v37  }
0xa1: {  	v43 =	vperm.xlane v35, v0;
	v37 =	vadd.f32 v45, v44;
	v44 =	vadd.f32 v26, v27  }
0xa2: {  	v30 =	vadd.f32 v30, v38;
	v38 =	vadd.f32 v40, v39;
	v39 =	vmul.f32 v29, v29  }
0xa3: {  	v32 =	vadd.f32 v36, v32;
	v36 =	vmul.f32 v27, v27;
	v35 =	vadd.f32 v35, v43  }
0xa4: {  	v40 =	vperm.xlane v33, v0;
	v37 =	vadd.f32 v37, v30;
	v30 =	vadd.f32 v41, v15  }
0xa5: {  	v38 =	vadd.f32 v38, v42;
	v42 =	vperm.xlane v35, v1;
	v41 =	vadd.f32 v19, v20  }
0xa6: {  	v33 =	vadd.f32 v40, v33;
	v40 =	vmul.f32 v26, v26;
	v43 =	vmul.f32 v30, v30  }
0xa7: {  	v35 =	vadd.f32 v35, v42;
	v34 =	vadd.f32 v41, v34;
	v41 =	vperm.xlane v38, v0  }
0xa8: {  	v42 =	vperm.xlane v33, v1;
	v36 =	vadd.f32 v40, v36;
	v39 =	vadd.f32 v43, v39  }
0xa9: {  	v40 =	vperm.xlane v37, v0;
	v43 =	vperm.xlane v32, v0;
	v38 =	vadd.f32 v41, v38  }
0xaa: {  	v33 =	vadd.f32 v42, v33;
	v41 =	vperm.xlane v35, v2;
	v36 =	vadd.f32 v39, v36  }
0xab: {  	v37 =	vadd.f32 v40, v37;
	v32 =	vadd.f32 v32, v43;
	v39 =	vperm.xlane v38, v1  }
0xac: {  	v40 =	vperm.xlane v34, v0;
	v35 =	vadd.f32 v35, v41;
	v41 =	vperm.xlane v33, v2  }
0xad: {  	v42 =	vperm.xlane v32, v1;
	v38 =	vadd.f32 v39, v38;
	v39 =	vperm.xlane v36, v0  }
0xae: {  	v34 =	vadd.f32 v34, v40;
	v40 =	vperm.xlane v37, v1;
	v33 =	vadd.f32 v41, v33  }
0xaf: {  	v32 =	vadd.f32 v32, v42;
	v41 =	vperm.xlane v38, v2;
	v42 =	vadd.f32 v30, v29  }
0xb0: {  	v37 =	vadd.f32 v40, v37;
	v40 =	vperm.xlane v35, v3;
	v43 =	vperm.xlane v33, v3  }
0xb1: {  	v45 =	vperm.xlane v34, v1;
	v46 =	vperm.xlane v32, v2;
	v38 =	vadd.f32 v41, v38  }
0xb2: {  	v35 =	vadd.f32 v35, v40;
	v41 =	vperm.xlane v37, v2;
	v33 =	vadd.f32 v43, v33  }
0xb3: {  	v34 =	vadd.f32 v34, v45;
	v40 =	vadd.f32 v32, v46  }
0xb4: {  	v43 =	vperm.xlane v38, v3;
	v32 =	vmul.f32 $1.562500000e-02, v35;
	v35 =	vadd.f32 v42, v44  }
0xb5: {  	v42 =	vperm.xlane v34, v2;
	v37 =	vadd.f32 v41, v37;
	v33 =	vmul.f32 $1.562500000e-02, v33  }
0xb6: {  	v36 =	vadd.f32 v39, v36;
	v41 =	vmul.f32 v32, v32;
	v44 =	vperm.xlane v35, v0  }
0xb7: {  	v34 =	vadd.f32 v34, v42;
	v39 =	vperm.xlane v40, v3;
	v38 =	vadd.f32 v43, v38  }
0xb8: {  	v42 =	vperm.xlane v37, v3;
	v33 =	vsub.f32 v33, v41;
	v35 =	vadd.f32 v35, v44  }
0xb9: {  	v41 =	vperm.xlane v34, v3;
	v39 =	vadd.f32 v40, v39;
	v38 =	vmul.f32 $1.562500000e-02, v38  }
0xba: {  	v37 =	vadd.f32 v42, v37;
	v33 =	vadd.f32 $9.999999740e-06, v33;
	v40 =	vperm.xlane v35, v1  }
0xbb: {  	v34 =	vadd.f32 v34, v41;
	v39 =	vmul.f32 $1.562500000e-02, v39;
	v41 =	vperm.xlane v36, v1  }
0xbc: {  	v42 =	vshrl.u32 v33, $0x1;
	v33 =	vmul.f32 $5.000000000e-01, v33;
	v35 =	vadd.f32 v35, v40  }
0xbd: {  	v40 =	vmul.f32 v39, v39;
	v31 =	vsub.f32 v31, v39;
	v36 =	vadd.f32 v41, v36  }
0xbe: {  	v34 =	vmul.f32 $1.562500000e-02, v34;
	v41 =	vsub.s32 $0x5F3759DF, v42;
	v42 =	vperm.xlane v35, v2  }
0xbf: {  	v37 =	vmul.f32 $1.562500000e-02, v37;
	v38 =	vsub.f32 v38, v40;
	v40 =	vperm.xlane v36, v2  }
0xc0: {  	v43 =	vmul.f32 v34, v34;
	v44 =	vmul.f32 v41, v33;
	v35 =	vadd.f32 v35, v42  }
0xc1: {  	v38 =	vadd.f32 $9.999999740e-06, v38;
	v36 =	vadd.f32 v40, v36  }
0xc2: {  	v25 =	vsub.f32 v25, v39;
	v37 =	vsub.f32 v37, v43;
	v40 =	vperm.xlane v35, v3  }
0xc3: {  	v42 =	vshrl.u32 v38, $0x1;
	v38 =	vmul.f32 $5.000000000e-01, v38;
	v43 =	vperm.xlane v36, v3  }
0xc4: {  	v37 =	vadd.f32 $9.999999740e-06, v37;
	v42 =	vsub.s32 $0x5F3759DF, v42;
	v35 =	vadd.f32 v35, v40  }
0xc5: {  	v44 =	vmul.f32 v41, v44;
	v40 =	vmul.f32 v42, v38;
	v36 =	vadd.f32 v43, v36  }
0xc6: {  	v43 =	vshrl.u32 v37, $0x1;
	v37 =	vmul.f32 $5.000000000e-01, v37;
	v35 =	vmul.f32 $1.562500000e-02, v35  }
0xc7: {  	v45 =	vsub.f32 v23, v39;
	v43 =	vsub.s32 $0x5F3759DF, v43;
	v40 =	vmul.f32 v42, v40  }
0xc8: {  	v23 =	vsub.f32 $1.500000000e+00, v44;
	v36 =	vmul.f32 $1.562500000e-02, v36;
	v44 =	vmul.f32 v35, v35  }
0xc9: {  	v47 =	vsub.f32 v24, v34;
	v46 =	vmul.f32 v43, v37;
	v24 =	vsub.f32 $1.500000000e+00, v40  }
0xca: {  	v28 =	vsub.f32 v28, v34;
	v40 =	vmul.f32 v41, v23;
	v36 =	vsub.f32 v36, v44  }
0xcb: {  	v41 =	vmul.f32 v43, v46;
	v23 =	vsub.f32 v27, v35;
	v42 =	vmul.f32 v42, v24  }
0xcc: {  	v27 =	vmul.f32 v40, v33;
	v24 =	vsub.f32 v29, v35;
	v33 =	vadd.f32 $9.999999740e-06, v36  }
0xcd: {  	v29 =	vsub.f32 $1.500000000e+00, v41;
	v36 =	vmul.f32 v42, v38;
	v38 =	vsub.f32 v21, v32  }
0xce: {  	v21 =	vmul.f32 v27, v40;
	v27 =	vshrl.u32 v33, $0x1;
	v33 =	vmul.f32 $5.000000000e-01, v33  }
0xcf: {  	v39 =	vsub.f32 v22, v39;
	v36 =	vmul.f32 v36, v42;
	v27 =	vsub.s32 $0x5F3759DF, v27  }
0xd0: {  	v29 =	vmul.f32 v43, v29;
	v22 =	vsub.f32 $1.500000000e+00, v21;
	v21 =	vmul.f32 v27, v33  }
0xd1: {  	v41 =	vsub.f32 v17, v32;
	v36 =	vsub.f32 $1.500000000e+00, v36  }
0xd2: {  	v37 =	vmul.f32 v29, v37;
	v43 =	vmul.f32 v27, v21;
	v21 =	vsub.f32 v26, v35  }
0xd3: {  	v18 =	vsub.f32 v18, v32;
	v17 =	vsub.f32 v30, v35;
	v26 =	vmul.f32 v22, v40  }
0xd4: {  	v30 =	vmul.f32 v37, v29;
	v22 =	vmul.f32 v36, v42;
	v35 =	vsub.f32 $1.500000000e+00, v43  }
0xd5: {  	v16 =	vsub.f32 v16, v32;
	v32 =	vmul.f32 v26, v38;
	v36 =	vmul.f32 v26, v41  }
0xd6: {  	v30 =	vsub.f32 $1.500000000e+00, v30;
	v31 =	vmul.f32 v22, v31;
	v37 =	vmul.f32 v26, v18  }
0xd7: {  	v20 =	vsub.f32 v20, v34;
	v26 =	vmul.f32 v26, v16;
	v32 =	vmul.f32 v32, v5  }
0xd8: {  	v18 =	vmul.f32 v30, v29;
	v16 =	vsub.f32 v19, v34;
	v29 =	vmul.f32 v31, v6  }
0xd9: {  	v30 =	vmul.f32 v22, v45;
	v19 =	vmul.f32 v27, v35;
	v31 =	vadd.f32 v32, v9  }
0xda: {  	v26 =	vmul.f32 v26, v4;
	v27 =	vmul.f32 v36, v6  }
.Ltmp0:
0xdb: {  	v30 =	vmul.f32 v30, v4;
	v29 =	vadd.f32 v29, v10;
	[tilespmem:s24+$0x10] =	vst v31;
	v31 =	vmul.f32 v19, v33;
	(pc) =	sbr.rel @p0 .LBB2_4-.Ltmp0, $4  }
0xdc: {  	v32 =	vmul.f32 v18, v47;
	v34 =	vadd.f32 v27, v10;
	v33 =	vmul.f32 v22, v39  }
0xdd: {  	v28 =	vmul.f32 v18, v28;
	v27 =	vadd.f32 v30, v8;
	[tilespmem:s24+$0xFFFFF3A0] =	vst v29;
	v29 =	vadd.f32 v26, v8  }
0xde: {  	v26 =	vmul.f32 v32, v5;
	v30 =	vmul.f32 v31, v19;
	[tilespmem:s24+$0x20] =	vst v34  }
0xdf: {  	v31 =	vmul.f32 v33, v5;
	s24 =	sadd.s32 $0x3200, s24;
	[tilespmem:s22+$0x0] =	vst v29;
	v29 =	vmul.f32 v37, v7  }
0xe0: {  	v12 =	vsub.f32 $1.500000000e+00, v30  }
0xe1: {  	v13 =	vmul.f32 v28, v4;
	v14 =	vmul.f32 v22, v25;
	v57 =	vadd.f32 v26, v9  }
0xe2: {  	v54 =	vmul.f32 v18, v20;
	[tilespmem:s22+$0xFFFFF380] =	vst v27;
	v15 =	vadd.f32 v31, v9;
	v12 =	vmul.f32 v12, v19  }
0xe3: {  	v16 =	vmul.f32 v18, v16;
	v55 =	vadd.f32 v29, v11;
	v14 =	vmul.f32 v14, v7;
	[tilespmem:s22+$0xFFFFE710] =	vst v57  }
0xe4: {  	v13 =	vadd.f32 v13, v8;
	v19 =	vmul.f32 v54, v6;
	[tilespmem:s22+$0xFFFFF390] =	vst v15;
	v56 =	vmul.f32 v12, v23  }
0xe5: {  	v16 =	vmul.f32 v16, v7;
	[tilespmem:s22+$0x30] =	vst v55;
	v58 =	vmul.f32 v12, v24;
	v14 =	vadd.f32 v14, v11  }
0xe6: {  	[tilespmem:s22+$0xFFFFE700] =	vst v13;
	v59 =	vmul.f32 v12, v21;
	v19 =	vadd.f32 v19, v10;
	v15 =	vmul.f32 v56, v4  }
0xe7: {  	s20 =	sadd.s32 $0x1, s20;
	v12 =	vmul.f32 v12, v17;
	v63 =	vadd.f32 v16, v11;
	v60 =	vmul.f32 v58, v6;
	[tilespmem:s22+$0xFFFFF3B0] =	vst v14  }
0xe8: {  	p0 =	sne.s32 s20, $0x32;
	v13 =	vmul.f32 v59, v5;
	[tilespmem:s22+$0xFFFFE720] =	vst v19;
	v61 =	vadd.f32 v15, v8  }
.Ltmp1:
0xe9: {  	v12 =	vmul.f32 v12, v7;
	[tilespmem:s22+$0xFFFFE730] =	vst v63;
	v62 =	vadd.f32 v60, v10;
	(pc) =	sbr.rel @p0 .LBB2_3-.Ltmp1, $4  }
0xea: {  	v13 =	vadd.f32 v13, v9;
	[tilespmem:s22+$0xC80] =	vst v61  }
0xeb: {  	v12 =	vadd.f32 v12, v11;
	[tilespmem:s22+$0xCA0] =	vst v62  }
0xec: {  	[tilespmem:s22+$0xC90] =	vst v13  }
0xed: {  	s21 =	sadd.s32 $0x40, s21;
	[tilespmem:s22+$0xCB0] =	vst v12  }
0xee: {  	s19 =	smul.u32 $0x1900, s19;
	s18 =	sadd.s32 $0x1, s18  }
0xef: {  	p0 =	sne.s32 s18, $0x8  }
.Ltmp2:
0xf0: {  	s19 =	sadd.s32 s2, s19;
	(pc) =	sbr.rel @p0 .LBB2_2-.Ltmp2, $4  }
0xf1: {  	[hbm4b:s19+s3] =	stream.linear.scatter [tilespmem:s15], [sflag:$0x2], $0xC800, $0x38;
	[tilespmem:$0xD9A0] =	vst v63  }
0xf2: {  	_ =	swait.ge [sflag:s12], $0xC800  }
0xf3: {  	[sflag:s12] =	ssyncset.done $0x0  }
0xf4: {  	[sflag:s12] =	ssyncadd.s32 $0xFFFF3800  }
0xf5: {  	s17 =	sadd.s32 $0x1, s17  }
0xf6: {  	p0 =	sne.s32 s17, s10  }
.Ltmp3:
0xf7: {  	_ = 	snop;
	(pc) =	sbr.rel @p0 .LBB2_1-.Ltmp3, $1  }
0xf8: {  	_ =	sdelay $0x3  }
0xf9: {  	_ =	sfence.sel $0x180000  }
0xfa: {  	[bflag:$0x0] =	sbarrier.arrive $0xFFFF  }
0xfb: {  	p0 =	sne.s32 s7, $0x0;
	_ =	strace $0x90000047  }
0xfc: {  	s0 =	sadd.s32 @!p0 $0x100000, s4;
	[bflag:$0x2] =	sbarrier.arrive $0xFFFF  }
0xfd: {  	[sflag:s0] =	ssyncadd.tile.s32 @!p0 $0x1;
	_ =	shalt  }
.Lfunc_end2:
_tile_overlayer_lowered:
.L_overlay_start_2:
0xfe: {  	(tag) =	ssettag $0x2  }
0xff: {  	s0 =	rddreg [dreg:$0x0];
	s2 =	stileid.u32  }
0x100: {  	s1 =	rddreg [dreg:$0x1];
	p0 =	sne.s32 s2, $0x0  }
0x101: {  	s3 =	rddreg [dreg:$0x2];
	[bflag:$0x3] =	sbarrier.arrive $0xFFFF;
	s2 =	simm.s32 @!p0 $0x1C02  }
0x102: {  	[timem:s3], [sflag:s2] =	dma.local @!p0 [hbm:s0], s1  }
0x103: {  	s0 =	simm.s32 @!p0 $0x2  }
0x104: {  	_ =	swait.ge @!p0 [sflag:s0], s1  }
0x105: {  	s1 =	ssub.s32 @!p0 $0x0, s1;
	[sflag:s0] =	ssyncset.done @!p0 $0x0  }
0x106: {  	[sflag:s0] =	ssyncadd.s32 @!p0 s1  }
0x107: {  	[bflag:$0x3] =	sbarrier.arrive $0xFFFF  }
0x108: {  	_ =	shalt  }

// kernel: sparse-core-data-format-call.cloned.1.call-start
scs
called_computation_lowered:
.L_overlay_start_0:
0x0: {  	s2 =	sld [smem:$0x3FD9]  }
0x1: {  	s3 =	sld [smem:$0x3FFE];
	_ =	sdelay $0x1  }
0x2: {  	s1 =	srdreg.scid  }
0x3: {  	s0 =	sand.u32 $0x1, s1  }
0x4: {  	s18 =	sshll.u32 s0, $0xA;
	s2 =	sadd.s32 s3, s2  }
0x5: {  	s2 =	sadd.s32 s2, s18  }
0x6: {  	[smem:$0x3FC3] =	sst s2  }
0x7: {  	_ = 	snop  }
0x8: {  	s2 =	sld [smem:$0x3FD0];
	(tm) =	ssettm $0x1  }
0x9: {  	s19 =	sld [smem:$0x3FFB];
	_ =	sdelay $0x3  }
0xa: {  	_ =	strace s19  }
0xb: {  	s3 =	sld [smem:$0x3FFC];
	_ =	sdelay $0x3  }
0xc: {  	_ =	strace s3  }
0xd: {  	s3 =	sld [smem:$0x3FFD];
	_ =	sdelay $0x3  }
0xe: {  	_ =	strace s3  }
0xf: {  	_ =	strace $0x8FFFFFFF  }
0x10: {  	s20 =	sld [smem:$0x3FDB];
	_ =	sdelay $0x1  }
0x11: {  	s4 =	simm.s32 $_scs_section_size  }
0x12: {  	s5 =	simm.s32 $_size__tile_overlayer_lowered;
	s6 =	simm.s32 $_tile_overlayer_lowered  }
0x13: {  	s23 =	simm.s32 $0x1BFF;
	s22 =	sshll.u32 s6, $0x1;
	s3 =	sadd.s32 s4, s20  }
0x14: {  	s7 =	simm.s32 $0x0;
	s21 =	sshll.u32 s5, $0x1;
	s5 =	sadd.s32 s22, s3  }
0x15: {  	[timem:s7], [sflag:s23] =	dma.local [hbm:s5], s21  }
0x16: {  	_ =	swait.ge [sflag:s23], s21  }
0x17: {  	s4 =	ssub.s32 $0x0, s21;
	[sflag:s23] =	ssyncset.done $0x0  }
0x18: {  	[sflag:s23] =	ssyncadd.s32 s4;
	_ =	sdelay $0x1  }
0x19: {  	s24 =	simm.s32 $0x1B8B  }
0x1a: {  	_ =	swait.ge [sflag:s24], $0x1  }
0x1b: {  	[sflag:s24] =	ssyncset.done $0x0  }
0x1c: {  	s26 =	simm.s32 $0x1B8E;
	s25 =	sld [smem:$0x3FFE];
	[sflag:s24] =	ssyncadd.s32 $0xFFFFFFFF  }
0x1d: {  	s27 =	simm.s32 $execute0_lowered;
	[smem:$0x3FD2] =	sst s26  }
0x1e: {  	s5 =	sshll.u32 s27, $0x1;
	_ =	strace $0x80000049;
	[dreg:$0x1] =	wrdreg $0xFFFFFFFF  }
0x1f: {  	s28 =	simm.s32 $_size_execute0_lowered;
	s3 =	sadd.s32 s3, s5;
	[dreg:$0x0] =	wrdreg $0x0  }
0x20: {  	s5 =	sshll.u32 s28, $0x1;
	[dreg:$0x2] =	wrdreg s3  }
0x21: {  	[dreg:$0x3] =	wrdreg s5  }
0x22: {  	[dreg:$0x4] =	wrdreg $0xC0  }
0x23: {  	_ =	task [dreg:s7], $0x5FFFF  }
0x24: {  	[dreg:$0x1] =	wrdreg $0xFFFFFFFF  }
0x25: {  	[dreg:$0x0] =	wrdreg $0x60  }
0x26: {  	[dreg:$0x2] =	wrdreg s25  }
0x27: {  	[dreg:$0x3] =	wrdreg s2  }
0x28: {  	[dreg:$0x4] =	wrdreg $0x9  }
0x29: {  	_ =	task.clear_ibuf [dreg:s7], $0x5FFFF;
	_ =	strace $0x90000049  }
0x2a: {  	s29 =	simm.s32 $0x9;
	_ =	strace $0x8000004B  }
0x2b: {  	_ =	swait.ge [sflag:s29], $0x1  }
0x2c: {  	[sflag:s29] =	ssyncadd.s32 $0xFFFFFFFF  }
0x2d: {  	_ =	strace $0x9000004B  }
0x2e: {  	_ =	sfence  }
0x2f: {  	s30 =	sld [smem:$0x0];
	_ =	sdelay $0x2  }
0x30: {  	s31 =	sshll.u32 s1, $0xD;
	s1 =	sshrl.u32 s1, $0x2  }
0x31: {  	s3 =	sand.u32 $0x4000, s31;
	s1 =	sadd.s32 s1, s30  }
0x32: {  	s0 =	sor.u32 s3, s0;
	s1 =	sshll.u32 s1, $0x11  }
0x33: {  	s0 =	sor.u32 s1, s0  }
0x34: {  	s0 =	sadd.s32 $0x8F2B, s0  }
0x35: {  	[sflag:s0] =	ssyncadd.remote.s32 $0x1  }
0x36: {  	_ =	sfence.sel $0xFFFF  }
0x37: {  	[dreg:$0x0] =	wrdreg $0xFFFFFFFF;
	(pc) =	sbr.abs _section_cstart, $3  }
0x38: {  	[dreg:$0x1] =	wrdreg $0xFFFFFFFF  }
0x39: {  	_ =	task.clear_ibuf [dreg:s7], $0x2FFFF;
	_ =	strace $0x9FFFFFFF  }
0x3a: {  	(tm) =	ssettm $0x7FFFFFFF  }
0x3b: {  	_ =	shalt  }
tec
execute0_lowered:
.L_overlay_start_1:
0x0: {  	(tag) =	ssettag $0x1  }
0x1: {  	s0 =	srdreg.scid  }
0x2: {  	s1 =	sshll.u32 s0, $0x4  }
0x3: {  	s0 =	stileid.u32;
	s1 =	sand.u32 $0x10, s1  }
0x4: {  	s1 =	sor.u32 s0, s1  }
0x5: {  	s6 =	rddreg [dreg:$0x0];
	s4 =	simm.s32 $0x1;
	s2 =	sshll.u32 s1, $0x7  }
0x6: {  	s7 =	simm.s32 $0x2;
	s12 =	simm.s32 $0x0;
	s1 =	ssub.s32 $0x1000, s2  }
0x7: {  	s8 =	simm.s32 $0x8000;
	s13 =	simm.s32 $0x0;
	s3 =	sand.u32 $0xF80, s1  }
0x8: {  	s9 =	simm.s32 $0x0;
	s5 =	sshrl.u32 s1, $0xC;
	p0 =	sne.s32 s3, $0x0  }
.Ltmp0:
0x9: {  	s1 =	rddreg [dreg:$0x2];
	s4 =	simm.s32 @!p0 $0x0;
	(pc) =	sbr.rel .LBB1_1-.Ltmp0, $4  }
0xa: {  	s11 =	simm.s32 $0x0;
	s3 =	rddreg [dreg:$0x1];
	s5 =	sadd.s32 s4, s5  }
0xb: {  	_ =	strace $0x8000004A;
	s4 =	simm.s32 $0x1;
	s5 =	smul.u32 $0x32, s5  }
0xc: {  	s6 =	sadd.s32 $0xC00, s6;
	s10 =	smov.u32 s2;
	[sflag:s4] =	ssyncpa.u1 $0x0  }
0xd: {  	p0 =	por $0x0, $0x0;
	[sflag:s7] =	ssyncpa.u1 $0x0;
	s7 =	sor.u32 $0x1, s5  }
.LBB1_4:
0xe: {  	s16 =	sshll.u32 s13, $0x3;
	s17 =	sand.u32 $0x78, s13  }
0xf: {  	s30 =	sand.u32 $0x7E00, s13;
	s12 =	sshll.u32 s12, $0xF;
	s16 =	sand.u32 $0xC00, s16  }
0x10: {  	[tilespmem:s15+$0x810 ss:$0x81] =	vst.msk $0xffff, v2;
	s31 =	sand.u32 $0x7, s13;
	s16 =	sor.u32 s17, s16;
	s17 =	sadd.s32 s3, s30  }
0x11: {  	[tilespmem:s15+$0x1020 ss:$0x81] =	vst.msk $0xffff, v0;
	s13 =	sshll.u32 s31, $0x12;
	s12 =	sadd.s32 s12, s17;
	s16 =	sshrl.u32 s16, $0x3  }
0x12: {  	[tilespmem:s15+$0x0 ss:$0x81] =	vst.msk $0xffff, v1;
	s13 =	sor.u32 $0x400, s13;
	s12 =	sadd.s32 s16, s12  }
0x13: {  	[hbm4b:s12+s13] =	stream.strided.scatter [tilespmem:s14], [sflag:$0x2], $0x2000, s8, s13, $0x20;
	[tilespmem:$0x8080] =	vst v63  }
.LBB1_5:
0x14: {  	s14 =	sadd.s32 $0x1, s9  }
0x15: {  	s12 =	sadd.s32 $0x1000, s10;
	s16 =	smov.u32 s10;
	p2 =	sgt.s32 s14, $0x31  }
0x16: {  	s16 =	smov.u32 @p2 s12  }
0x17: {  	s14 =	simm.s32 @p2 $0x0;
	p2 =	sgt.s32 s16, $0xFFF  }
0x18: {  	s16 =	smov.u32 @p2 s2;
	p2 =	sne.s32 s11, s7  }
.Ltmp1:
0x19: {  	p1 =	slt.u32 s11, $0x2;
	(pc) =	sbr.rel @!p2 .LBB1_6-.Ltmp1, $4  }
0x1a: {  	s15 =	simm.s32 @!p1 $0x2  }
0x1b: {  	s13 =	smov.u32 s10;
	p0 =	por !p0, !p0;
	_ =	swait.ge @!p1 [sflag:s15], $0x2000  }
0x1c: {  	s12 =	smov.u32 s9;
	[sflag:s15] =	ssyncset.done @!p1 $0x0;
	s9 =	smov.u32 s14  }
0x1d: {  	s11 =	sadd.s32 $0x1, s11;
	[sflag:s15] =	ssyncadd.s32 @!p1 $0xFFFFE000;
	s10 =	smov.u32 s16  }
.LBB1_1:
0x1e: {  	p1 =	sge.u32 s11, s5  }
0x1f: {  	s14 =	sand.u32 @!p1 $0x1FFFFFF, s9  }
0x20: {  	s15 =	smulhi.u32 @!p1 $0x4924925, s14;
	_ =	sdelay $0x1  }
0x21: {  	s15 =	smul.u32 @!p1 $0x38, s15  }
0x22: {  	s16 =	sxor.u32 @!p1 $0xFFFFFFFF, s11;
	s17 =	smul.u32 @!p1 $0x380, s10  }
0x23: {  	s31 =	sadd.s32 $0xFFFFFFFF, s11;
	s16 =	sshll.u32 @!p1 s16, $0xD;
	s14 =	ssub.s32 @!p1 s14, s15  }
0x24: {  	s15 =	sand.u32 @!p1 $0x2000, s16;
	s16 =	sadd.s32 @!p1 s6, s17;
	s14 =	sshll.u32 @!p1 s14, $0x4  }
0x25: {  	s17 =	simm.s32 @!p1 $0x1C00;
	s14 =	sadd.s32 @!p1 s14, s16;
	s16 =	simm.s32 @!p1 $0x40  }
0x26: {  	[tilespmem:s15], [sflag:$0x1] =	stream.strided.gather @!p1 [hbm4b:s14+s16], $0x2000, s17, s16, $0x38;
	[tilespmem:$0x8080] =	vst v63  }
0x27: {  	p1 =	sge.u32 s31, s5  }
.Ltmp2:
0x28: {  	_ = 	snop;
	(pc) =	sbr.rel @p1 .LBB1_5-.Ltmp2, $1  }
0x29: {  	_ =	sdelay $0x3  }
0x2a: {  	s14 =	simm.s32 $0x1  }
0x2b: {  	_ =	swait.ge [sflag:s4], $0x2000;
	s14 =	simm.s32 @!p0 $0x0  }
0x2c: {  	[sflag:s4] =	ssyncset.done $0x0;
	s15 =	sshll.u32 s14, $0xD  }
0x2d: {  	[sflag:s4] =	ssyncadd.s32 $0xFFFFE000;
	s18 =	sor.u32 $0x20, s15  }
0x2e: {  	s14 =	smul.u32 $0x8100, s14;
	v3 =	vld [tilespmem:s18+$0x10]  }
0x2f: {  	s30 =	sand.u32 $0x1, s11;
	v2 =	vld [tilespmem:s18+$0xFFFFFFF0]  }
0x30: {  	s15 =	smul.u32 $0x8100, s30;
	s14 =	sshrl.u32 s14, $0x2;
	v0 =	vld [tilespmem:s18+$0x0]  }
0x31: {  	v1 =	vld [tilespmem:s18+$0xFFFFFFE0];
	s16 =	sor.u32 $0x4000, s14  }
0x32: {  	s31 =	sshrl.u32 s15, $0x2;
	s15 =	sadd.s32 $0x0, s16  }
0x33: {  	s17 =	simm.s32 $0x4;
	s18 =	sadd.s32 $0x40, s18;
	s14 =	sor.u32 $0x4000, s31;
	[tilespmem:s15+$0x1830 ss:$0x81] =	vst.msk $0xffff, v3  }
.LBB1_3:
0x34: {  	v3 =	vld [tilespmem:s18+$0x10];
	p1 =	sne.s32 s17, $0x1FC;
	[tilespmem:s15+$0x810 ss:$0x81] =	vst.msk $0xffff, v2;
	s19 =	smov.u32 s17;
	s17 =	sadd.s32 $0x4, s17  }
.Ltmp3:
0x35: {  	v2 =	vld [tilespmem:s18+$0xFFFFFFF0];
	[tilespmem:s15+$0x1020 ss:$0x81] =	vst.msk $0xffff, v0;
	(pc) =	sbr.rel @p1 .LBB1_3-.Ltmp3, $4  }
0x36: {  	v0 =	vld [tilespmem:s18+$0x0];
	[tilespmem:s15+$0x0 ss:$0x81] =	vst.msk $0xffff, v1  }
0x37: {  	s15 =	sshra.s32 s19, $0x2;
	v1 =	vld [tilespmem:s18+$0xFFFFFFE0]  }
0x38: {  	s15 =	sadd.s32 s15, s16  }
0x39: {  	s18 =	sadd.s32 $0x40, s18;
	[tilespmem:s15+$0x1830 ss:$0x81] =	vst.msk $0xffff, v3  }
.Ltmp4:
0x3a: {  	_ = 	snop;
	(pc) =	sbr.rel .LBB1_4-.Ltmp4, $1  }
0x3b: {  	_ =	sdelay $0x3  }
.LBB1_6:
0x3c: {  	_ =	sfence.sel $0x180000  }
0x3d: {  	s2 =	simm.s32 $0x1;
	[bflag:$0x0] =	sbarrier.arrive $0xFFFF  }
0x3e: {  	s31 =	simm.s32 $0x2;
	[sflag:s2] =	ssyncpa.u1 $0x1  }
0x3f: {  	[sflag:s31] =	ssyncpa.u1 $0x1  }
0x40: {  	p0 =	sne.s32 s0, $0x0;
	_ =	strace $0x9000004A  }
0x41: {  	s0 =	sadd.s32 @!p0 $0x100000, s1;
	[bflag:$0x2] =	sbarrier.arrive $0xFFFF  }
0x42: {  	[sflag:s0] =	ssyncadd.tile.s32 @!p0 $0x1;
	_ =	shalt  }
.Lfunc_end1:
_tile_overlayer_lowered:
.L_overlay_start_2:
0x43: {  	(tag) =	ssettag $0x2  }
0x44: {  	s0 =	rddreg [dreg:$0x0];
	s2 =	stileid.u32  }
0x45: {  	s1 =	rddreg [dreg:$0x1];
	p0 =	sne.s32 s2, $0x0  }
0x46: {  	s3 =	rddreg [dreg:$0x2];
	[bflag:$0x3] =	sbarrier.arrive $0xFFFF;
	s2 =	simm.s32 @!p0 $0x1C01  }
0x47: {  	[timem:s3], [sflag:s2] =	dma.local @!p0 [hbm:s0], s1  }
0x48: {  	s0 =	simm.s32 @!p0 $0x1  }
0x49: {  	_ =	swait.ge @!p0 [sflag:s0], s1  }
0x4a: {  	s1 =	ssub.s32 @!p0 $0x0, s1;
	[sflag:s0] =	ssyncset.done @!p0 $0x0  }
0x4b: {  	[sflag:s0] =	ssyncadd.s32 @!p0 s1  }
0x4c: {  	[bflag:$0x3] =	sbarrier.arrive $0xFFFF  }
0x4d: {  	_ =	shalt  }

</sc_bundles>
